<compile_context>
chip_gen: v7x
topology: tpu7x:2x2x1
jax: 0.10.2.dev20260603
libtpu: 0.0.44.dev20260713+nightly
codegen_flags: <defaults>
</compile_context>

<pallas_src>
import functools

import jax
import jax.numpy as jnp
from jax import lax
from jax.experimental import pallas as pl
from jax.experimental.pallas import tpu as pltpu
from jax.experimental.pallas import tpu_sc as plsc

B, N, C_IN, D_CODE, K = 8, 1024, 96, 32, 8192
R = B * N
RT = 2048
KC = 2048
COMMITMENT = 0.25



def _argmin_body(x_ref, wenc_ref, cb_ref, cbsq_ref, enc_out, idx_out):
    x = x_ref[...]
    enc = lax.dot_general(
        x.astype(jnp.bfloat16), wenc_ref[...].astype(jnp.bfloat16),
        (((1,), (0,)), ((), ())), preferred_element_type=jnp.float32)
    enc_out[...] = enc
    enc2_16 = (2.0 * enc).astype(jnp.bfloat16)
    rowsq = jnp.sum(enc * enc, axis=1, keepdims=True)
    lane = lax.broadcasted_iota(jnp.int32, (RT, 128), 1)

    bmin = jnp.full((RT,), jnp.inf, jnp.float32)
    bidx = jnp.zeros((RT,), jnp.int32)
    for w in range(K // KC):
        cb = cb_ref[pl.ds(w * KC, KC), :].astype(jnp.bfloat16)
        dot2 = lax.dot_general(
            enc2_16, cb, (((1,), (1,)), ((), ())),
            preferred_element_type=jnp.float32)
        wval = jnp.full((RT, 128), jnp.inf, jnp.float32)
        widx = jnp.zeros((RT, 128), jnp.int32)
        for g in range(KC // 128):
            c0 = w * KC + g * 128
            dg = ((rowsq - dot2[:, g * 128:(g + 1) * 128])
                  + cbsq_ref[:, c0:c0 + 128])
            upd = dg < wval
            widx = jnp.where(upd, lane + c0, widx)
            wval = jnp.where(upd, dg, wval)
        lmin = jnp.min(wval, axis=1)
        tie = wval == lmin[:, None]
        lidx = jnp.min(jnp.where(tie, widx, jnp.int32(2**31 - 1)), axis=1)
        upd2 = lmin < bmin
        bidx = jnp.where(upd2, lidx, bidx)
        bmin = jnp.where(upd2, lmin, bmin).astype(
            jnp.bfloat16).astype(jnp.float32)
    i = pl.program_id(0)
    idx_out[pl.ds(i * (RT // 128), RT // 128), :] = bidx.reshape(RT // 128, 128)


def _encode_argmin(flat, W_enc, codebook, cbsq):
    return pl.pallas_call(
        _argmin_body,
        grid=(R // RT,),
        in_specs=[
            pl.BlockSpec((RT, C_IN), lambda i: (i, 0)),
            pl.BlockSpec((C_IN, D_CODE), lambda i: (0, 0)),
            pl.BlockSpec((K, D_CODE), lambda i: (0, 0)),
            pl.BlockSpec((1, K), lambda i: (0, 0)),
        ],
        out_specs=[
            pl.BlockSpec((RT, D_CODE), lambda i: (i, 0)),
            pl.BlockSpec((R // 128, 128), lambda i: (0, 0)),
        ],
        out_shape=[
            jax.ShapeDtypeStruct((R, D_CODE), jnp.float32),
            jax.ShapeDtypeStruct((R // 128, 128), jnp.int32),
        ],
    )(flat, W_enc, codebook, cbsq)



_NC, _NS = 2, 16
_NW = _NC * _NS
_BPW = R // _NW
_GCH = 128
_DP = D_CODE


@functools.cache
def _sc_gather_kernel():
    mesh = plsc.VectorSubcoreMesh(core_axis_name="c", subcore_axis_name="s")

    @functools.partial(
        pl.kernel,
        mesh=mesh,
        out_type=jax.ShapeDtypeStruct((R, _DP), jnp.float32),
        scratch_types=[
            pltpu.VMEM((_BPW,), jnp.int32),
            pltpu.VMEM((_BPW, _DP), jnp.float32),
            pltpu.SemaphoreType.DMA,
        ],
        compiler_params=pltpu.CompilerParams(use_tc_tiling_on_sc=False),
    )
    def _sc_gather(table_hbm, idx_hbm, out_hbm, idx_v, rows_v, sem):
        wid = lax.axis_index("s") * _NC + lax.axis_index("c")
        base = wid * _BPW
        pltpu.sync_copy(idx_hbm.at[pl.ds(base, _BPW)], idx_v)
        copies = []
        for j in range(_BPW // _GCH):
            copies.append(pltpu.async_copy(
                table_hbm.at[idx_v.at[pl.ds(j * _GCH, _GCH)]],
                rows_v.at[pl.ds(j * _GCH, _GCH)], sem))
        for c in copies:
            c.wait()
        pltpu.sync_copy(rows_v, out_hbm.at[pl.ds(base, _BPW)])

    return _sc_gather



def _decode_body(x_ref, enc_ref, emb_ref, wdec_ref, recon_out, loss_out, acc):
    i = pl.program_id(0)

    @pl.when(i == 0)
    def _():
        acc[0] = 0.0
        acc[1] = 0.0

    emb = emb_ref[...]
    recon = lax.dot_general(
        emb.astype(jnp.bfloat16), wdec_ref[...].astype(jnp.bfloat16),
        (((1,), (0,)), ((), ())), preferred_element_type=jnp.float32)
    recon_out[...] = recon
    d1 = emb - enc_ref[...]
    d2 = recon - x_ref[...]
    acc[0] += jnp.sum(d1 * d1)
    acc[1] += jnp.sum(d2 * d2)

    @pl.when(i == R // RT - 1)
    def _():
        loss_out[...] = jnp.reshape(
            (1.0 + COMMITMENT) * acc[0] / (R * D_CODE)
            + acc[1] / (R * C_IN), (1, 1))


def _decode_loss(flat, enc, emb, W_dec):
    return pl.pallas_call(
        _decode_body,
        grid=(R // RT,),
        in_specs=[
            pl.BlockSpec((RT, C_IN), lambda i: (i, 0)),
            pl.BlockSpec((RT, D_CODE), lambda i: (i, 0)),
            pl.BlockSpec((RT, _DP), lambda i: (i, 0)),
            pl.BlockSpec((D_CODE, C_IN), lambda i: (0, 0)),
        ],
        out_specs=[
            pl.BlockSpec((RT, C_IN), lambda i: (i, 0)),
            pl.BlockSpec((1, 1), lambda i: (0, 0)),
        ],
        out_shape=[
            jax.ShapeDtypeStruct((R, C_IN), jnp.float32),
            jax.ShapeDtypeStruct((1, 1), jnp.float32),
        ],
        scratch_shapes=[pltpu.SMEM((2,), jnp.float32)],
    )(flat, enc, emb, W_dec)



def kernel(inputs, W_enc, codebook, W_dec):
    flat = inputs.reshape(R, C_IN)
    cbsq = jnp.sum(codebook ** 2, axis=1)[None, :]
    enc, idx = _encode_argmin(flat, W_enc, codebook, cbsq)
    emb_g = _sc_gather_kernel()(codebook, idx.reshape(R))
    recon, loss = _decode_loss(flat, enc, emb_g, W_dec)
    return (loss.reshape(()),
            recon.reshape(B, N, C_IN),
            emb_g.reshape(B, N, D_CODE))

# --- scband reference (transcript-rebuilt; emitter-appended) ---
"""Pipeline reference for scband-vqvae-14319420965477 (READ-ONLY COPY).

The authoritative reference and input builder live on the scoring server;
editing this copy changes nothing except your own understanding.
"""

import jax, jax.numpy as jnp
import numpy as np

B, N, C_IN, D_CODE, K = 8, 1024, 96, 32, 8192
COMMITMENT = 0.25


def setup_inputs(seed: int = 0) -> dict:
    key = jax.random.key(seed)
    k1, k2, k3, k4 = jax.random.split(key, 4)
    inputs = jax.random.normal(k1, (B, N, C_IN), dtype=jnp.float32)
    W_enc = jax.random.normal(k2, (C_IN, D_CODE), dtype=jnp.float32) / np.sqrt(C_IN)
    codebook = jax.random.normal(k3, (K, D_CODE), dtype=jnp.float32)
    W_dec = jax.random.normal(k4, (D_CODE, C_IN), dtype=jnp.float32) / np.sqrt(D_CODE)
    return {"inputs": inputs, "W_enc": W_enc, "codebook": codebook, "W_dec": W_dec}


def _vq(encoded, codebook):
    # nearest-neighbor codebook lookup (the VQ layer of each encoder)
    flat = encoded.reshape(-1, encoded.shape[-1])
    dists = (jnp.sum(flat ** 2, axis=1, keepdims=True)
             - 2.0 * flat @ codebook.T
             + jnp.sum(codebook ** 2, axis=1)[None, :])
    idxs = jnp.argmin(dists, axis=1)
    embedded = jnp.take(codebook, idxs, axis=0).reshape(encoded.shape)
    # straight-through estimator (embedded_pt)
    embedded_pt = encoded + jax.lax.stop_gradient(embedded - encoded)
    return embedded, embedded_pt, idxs


def reference(inputs, W_enc, codebook, W_dec):
    # single-level VQ-VAE hierarchy (num_levels=1)
    # encoder.encode: per-position projection (1x1-conv equivalent)
    encoded = inputs @ W_enc
    embedded, embedded_pt, _ = _vq(encoded, codebook)
    # vq_loss(encoded, embedded, commitment):
    #   mse(embedded, encoded.detach()) + commitment * mse(encoded, embedded.detach())
    vq_l = (jnp.mean((embedded - jax.lax.stop_gradient(encoded)) ** 2)
            + COMMITMENT * jnp.mean((encoded - jax.lax.stop_gradient(embedded)) ** 2))
    # decoder on the straight-through embedded codes
    recon = embedded_pt @ W_dec
    # inputs are float -> MSE reconstruction loss against detached target
    recon_l = jnp.mean((recon - jax.lax.stop_gradient(inputs)) ** 2)
    loss = vq_l + recon_l
    return loss, recon, embedded_pt

if __name__ == "__main__":
    import jax
    _d = setup_inputs()
    print(jax.jit(kernel)(*tuple(_d.values())))

</pallas_src>

<mosaic_0001>
#map = affine_map<(d0, d1) -> (0, 0)>
#map1 = affine_map<(d0, d1) -> (0)>
module attributes {stable_mosaic.version = 14 : i64} {
  func.func @_sc_gather(%arg0: i32, %arg1: i32, %arg2: memref<8192x32xf32, #tpu.memory_space<hbm>>, %arg3: memref<8192xi32, #tpu.memory_space<hbm>>, %arg4: memref<8192x32xf32, #tpu.memory_space<hbm>>, %arg5: memref<256xi32, #tpu.memory_space<vmem>>, %arg6: memref<256x32xf32, #tpu.memory_space<vmem>>, %arg7: memref<!tpu.dma_semaphore, #tpu.memory_space<semaphore_mem>>) attributes {dimension_semantics = [#tpu.dimension_semantics<core_parallel>, #tpu.dimension_semantics<subcore_parallel>], iteration_bounds = array<i64: 2, 16>, scalar_prefetch = 0 : i64, scratch_operands = 3 : i64, tpu.core_type = #tpu.core_type<sc_vector_subcore>, window_params = [{transform_indices = #map}, {transform_indices = #map1}, {transform_indices = #map}]} {
    %mul3A = arith.constant 2 : i32
    %mul3A_0 = arith.muli %arg1, %mul3A : i32
    %add3A = arith.addi %mul3A_0, %arg0 : i32
    %mul3A_1 = arith.constant 256 : i32
    %mul3A_2 = arith.muli %add3A, %mul3A_1 : i32
    "tpu.region"() ({
      %run_scoped3A = tpu.sem_alloc : memref<!tpu.dma_semaphore, #tpu.memory_space<semaphore_mem>>
      %dma_start3A_33 = tpu.memref_slice %arg3[%mul3A_2] : memref<8192xi32, #tpu.memory_space<hbm>> -> memref<256xi32, #tpu.memory_space<hbm>>
      %dma_start3A_34 = tpu.memref_slice %arg3[%mul3A_2] : memref<8192xi32, #tpu.memory_space<hbm>> -> memref<256xi32, #tpu.memory_space<hbm>>
      tpu.enqueue_dma source(%dma_start3A_34 : memref<256xi32, #tpu.memory_space<hbm>>) target(%arg5 : memref<256xi32, #tpu.memory_space<vmem>>) target_semaphore(%run_scoped3A : memref<!tpu.dma_semaphore, #tpu.memory_space<semaphore_mem>>)
      %dma_wait3A_35 = tpu.memref_slice %arg3[%mul3A_2] : memref<8192xi32, #tpu.memory_space<hbm>> -> memref<256xi32, #tpu.memory_space<hbm>>
      %dma_wait3A_36 = tpu.memref_slice %arg3[%mul3A_2] : memref<8192xi32, #tpu.memory_space<hbm>> -> memref<256xi32, #tpu.memory_space<hbm>>
      tpu.wait_dma2 semaphore(%run_scoped3A : memref<!tpu.dma_semaphore, #tpu.memory_space<semaphore_mem>>) src(%dma_wait3A_36 : memref<256xi32, #tpu.memory_space<hbm>>) dst(%arg5 : memref<256xi32, #tpu.memory_space<vmem>>)
      tpu.yield
    }) : () -> ()
    %dma_start3A = arith.constant 0 : i32
    %dma_start3A_3 = arith.constant 0 : i32
    %dma_start3A_4 = tpu.memref_slice %arg6[%dma_start3A, %dma_start3A_3] : memref<256x32xf32, #tpu.memory_space<vmem>> -> memref<128x32xf32, #tpu.memory_space<vmem>>
    %dma_start3A_5 = arith.constant 0 : i32
    %dma_start3A_6 = tpu.memref_slice %arg5[%dma_start3A_5] : memref<256xi32, #tpu.memory_space<vmem>> -> memref<128xi32, #tpu.memory_space<vmem>>
    %dma_start3A_7 = arith.constant 0 : i32
    %dma_start3A_8 = arith.constant 0 : i32
    %dma_start3A_9 = tpu.memref_slice %arg2[%dma_start3A_7, %dma_start3A_8] : memref<8192x32xf32, #tpu.memory_space<hbm>> -> memref<8192x32xf32, #tpu.memory_space<hbm>>
    tpu.enqueue_indirect_dma source(%dma_start3A_9 : memref<8192x32xf32, #tpu.memory_space<hbm>>) target(%dma_start3A_4 : memref<128x32xf32, #tpu.memory_space<vmem>>) offsets(%dma_start3A_6 : memref<128xi32, #tpu.memory_space<vmem>>) semaphore(%arg7 : memref<!tpu.dma_semaphore, #tpu.memory_space<semaphore_mem>>)
    %dma_start3A_10 = arith.constant 128 : i32
    %dma_start3A_11 = arith.constant 0 : i32
    %dma_start3A_12 = tpu.memref_slice %arg6[%dma_start3A_10, %dma_start3A_11] : memref<256x32xf32, #tpu.memory_space<vmem>> -> memref<128x32xf32, #tpu.memory_space<vmem>>
    %dma_start3A_13 = arith.constant 128 : i32
    %dma_start3A_14 = tpu.memref_slice %arg5[%dma_start3A_13] : memref<256xi32, #tpu.memory_space<vmem>> -> memref<128xi32, #tpu.memory_space<vmem>>
    %dma_start3A_15 = arith.constant 0 : i32
    %dma_start3A_16 = arith.constant 0 : i32
    %dma_start3A_17 = tpu.memref_slice %arg2[%dma_start3A_15, %dma_start3A_16] : memref<8192x32xf32, #tpu.memory_space<hbm>> -> memref<8192x32xf32, #tpu.memory_space<hbm>>
    tpu.enqueue_indirect_dma source(%dma_start3A_17 : memref<8192x32xf32, #tpu.memory_space<hbm>>) target(%dma_start3A_12 : memref<128x32xf32, #tpu.memory_space<vmem>>) offsets(%dma_start3A_14 : memref<128xi32, #tpu.memory_space<vmem>>) semaphore(%arg7 : memref<!tpu.dma_semaphore, #tpu.memory_space<semaphore_mem>>)
    %dma_wait3A = arith.constant 0 : i32
    %dma_wait3A_18 = arith.constant 0 : i32
    %dma_wait3A_19 = tpu.memref_slice %arg6[%dma_wait3A, %dma_wait3A_18] : memref<256x32xf32, #tpu.memory_space<vmem>> -> memref<128x32xf32, #tpu.memory_space<vmem>>
    %dma_wait3A_20 = arith.constant 0 : i32
    %dma_wait3A_21 = tpu.memref_slice %arg5[%dma_wait3A_20] : memref<256xi32, #tpu.memory_space<vmem>> -> memref<128xi32, #tpu.memory_space<vmem>>
    %dma_wait3A_22 = arith.constant 0 : i32
    %dma_wait3A_23 = arith.constant 0 : i32
    %dma_wait3A_24 = tpu.memref_slice %arg2[%dma_wait3A_22, %dma_wait3A_23] : memref<8192x32xf32, #tpu.memory_space<hbm>> -> memref<8192x32xf32, #tpu.memory_space<hbm>>
    tpu.wait_indirect_dma semaphore(%arg7 : memref<!tpu.dma_semaphore, #tpu.memory_space<semaphore_mem>>) src(%dma_wait3A_24 : memref<8192x32xf32, #tpu.memory_space<hbm>>) dst(%dma_wait3A_19 : memref<128x32xf32, #tpu.memory_space<vmem>>)
    %dma_wait3A_25 = arith.constant 128 : i32
    %dma_wait3A_26 = arith.constant 0 : i32
    %dma_wait3A_27 = tpu.memref_slice %arg6[%dma_wait3A_25, %dma_wait3A_26] : memref<256x32xf32, #tpu.memory_space<vmem>> -> memref<128x32xf32, #tpu.memory_space<vmem>>
    %dma_wait3A_28 = arith.constant 128 : i32
    %dma_wait3A_29 = tpu.memref_slice %arg5[%dma_wait3A_28] : memref<256xi32, #tpu.memory_space<vmem>> -> memref<128xi32, #tpu.memory_space<vmem>>
    %dma_wait3A_30 = arith.constant 0 : i32
    %dma_wait3A_31 = arith.constant 0 : i32
    %dma_wait3A_32 = tpu.memref_slice %arg2[%dma_wait3A_30, %dma_wait3A_31] : memref<8192x32xf32, #tpu.memory_space<hbm>> -> memref<8192x32xf32, #tpu.memory_space<hbm>>
    tpu.wait_indirect_dma semaphore(%arg7 : memref<!tpu.dma_semaphore, #tpu.memory_space<semaphore_mem>>) src(%dma_wait3A_32 : memref<8192x32xf32, #tpu.memory_space<hbm>>) dst(%dma_wait3A_27 : memref<128x32xf32, #tpu.memory_space<vmem>>)
    "tpu.region"() ({
      %run_scoped3A = tpu.sem_alloc : memref<!tpu.dma_semaphore, #tpu.memory_space<semaphore_mem>>
      %dma_start3A_33 = arith.constant 0 : i32
      %dma_start3A_34 = tpu.memref_slice %arg4[%mul3A_2, %dma_start3A_33] : memref<8192x32xf32, #tpu.memory_space<hbm>> -> memref<256x32xf32, #tpu.memory_space<hbm>>
      %dma_start3A_35 = arith.constant 0 : i32
      %dma_start3A_36 = tpu.memref_slice %arg4[%mul3A_2, %dma_start3A_35] : memref<8192x32xf32, #tpu.memory_space<hbm>> -> memref<256x32xf32, #tpu.memory_space<hbm>>
      tpu.enqueue_dma source(%arg6 : memref<256x32xf32, #tpu.memory_space<vmem>>) target(%dma_start3A_36 : memref<256x32xf32, #tpu.memory_space<hbm>>) target_semaphore(%run_scoped3A : memref<!tpu.dma_semaphore, #tpu.memory_space<semaphore_mem>>)
      %dma_wait3A_37 = arith.constant 0 : i32
      %dma_wait3A_38 = tpu.memref_slice %arg4[%mul3A_2, %dma_wait3A_37] : memref<8192x32xf32, #tpu.memory_space<hbm>> -> memref<256x32xf32, #tpu.memory_space<hbm>>
      %dma_wait3A_39 = arith.constant 0 : i32
      %dma_wait3A_40 = tpu.memref_slice %arg4[%mul3A_2, %dma_wait3A_39] : memref<8192x32xf32, #tpu.memory_space<hbm>> -> memref<256x32xf32, #tpu.memory_space<hbm>>
      tpu.wait_dma2 semaphore(%run_scoped3A : memref<!tpu.dma_semaphore, #tpu.memory_space<semaphore_mem>>) src(%arg6 : memref<256x32xf32, #tpu.memory_space<vmem>>) dst(%dma_wait3A_40 : memref<256x32xf32, #tpu.memory_space<hbm>>)
      tpu.yield
    }) : () -> ()
    return
  }
}

module attributes {stable_mosaic.version = 14 : i64} {
  func.func @_argmin_body(%arg0: i32, %arg1: memref<2048x96xf32, #tpu.memory_space<vmem>>, %arg2: memref<96x32xf32, #tpu.memory_space<vmem>>, %arg3: memref<8192x32xf32, #tpu.memory_space<vmem>>, %arg4: memref<1x8192xf32, #tpu.memory_space<vmem>>, %arg5: memref<2048x32xf32, #tpu.memory_space<vmem>>, %arg6: memref<64x128xi32, #tpu.memory_space<vmem>>) attributes {dimension_semantics = [#tpu.dimension_semantics<arbitrary>], iteration_bounds = array<i64: 4>, scalar_prefetch = 0 : i64, scratch_operands = 0 : i64, tpu.core_type = #tpu.core_type<tc>, window_params = [{transform_indices = @transform_0, window_bounds = array<i64: 2048, 96>}, {pipeline_mode = #tpu.pipeline_mode<synchronous>, transform_indices = @transform_1, window_bounds = array<i64: 96, 32>}, {pipeline_mode = #tpu.pipeline_mode<synchronous>, transform_indices = @transform_2, window_bounds = array<i64: 8192, 32>}, {pipeline_mode = #tpu.pipeline_mode<synchronous>, transform_indices = @transform_3, window_bounds = array<i64: 1, 8192>}, {transform_indices = @transform_4, window_bounds = array<i64: 2048, 32>}, {pipeline_mode = #tpu.pipeline_mode<synchronous>, transform_indices = @transform_5, window_bounds = array<i64: 64, 128>}]} {
    %get3A = arith.constant 0 : index
    %get3A_0 = arith.constant 0 : index
    %get3A_1 = vector.load %arg1[%get3A, %get3A_0] : memref<2048x96xf32, #tpu.memory_space<vmem>>, vector<2048x96xf32>
    %convert_element_type3A = arith.truncf %get3A_1 : vector<2048x96xf32> to vector<2048x96xbf16>
    %get3A_2 = arith.constant 0 : index
    %get3A_3 = arith.constant 0 : index
    %get3A_4 = vector.load %arg2[%get3A_2, %get3A_3] : memref<96x32xf32, #tpu.memory_space<vmem>>, vector<96x32xf32>
    %convert_element_type3A_5 = arith.truncf %get3A_4 : vector<96x32xf32> to vector<96x32xbf16>
    %dot_general3A = arith.constant dense<0.000000e+00> : vector<2048x32xf32>
    %dot_general3A_6 = tpu.matmul %convert_element_type3A, %convert_element_type3A_5, %dot_general3A {dimension_numbers = #tpu.dot_dimension_numbers<[1], [0], [0], [1], [0, 0, 1, 1], [], []>, transpose_lhs_hint = false} : vector<2048x96xbf16>, vector<96x32xbf16>, vector<2048x32xf32> -> vector<2048x32xf32>
    %swap3A = arith.constant 0 : index
    %swap3A_7 = arith.constant 0 : index
    %swap3A_8 = vector.load %arg5[%swap3A, %swap3A_7] : memref<2048x32xf32, #tpu.memory_space<vmem>>, vector<2048x32xf32>
    tpu.vector_store %arg5[%swap3A, %swap3A_7], %dot_general3A_6 {strides = array<i32>} : memref<2048x32xf32, #tpu.memory_space<vmem>>, vector<2048x32xf32>,
    %mul3A = arith.constant 2.000000e+00 : f32
    %mul3A_9 = vector.broadcast %mul3A : f32 to vector<2048x32xf32>
    %mul3A_10 = arith.mulf %mul3A_9, %dot_general3A_6 : vector<2048x32xf32>
    %convert_element_type3A_11 = arith.truncf %mul3A_10 : vector<2048x32xf32> to vector<2048x32xbf16>
    %mul3A_12 = arith.mulf %dot_general3A_6, %dot_general3A_6 : vector<2048x32xf32>
    %reduce_sum3A = arith.constant dense<0.000000e+00> : vector<2048xf32>
    %reduce_sum3A_13 = vector.multi_reduction <add>, %mul3A_12, %reduce_sum3A [1] : vector<2048x32xf32> to vector<2048xf32>
    %broadcast_in_dim3A = vector.shape_cast %reduce_sum3A_13 : vector<2048xf32> to vector<2048x1xf32>
    %iota3A = tpu.iota {dimensions = array<i32: 1>} : vector<2048x128xi32>
    %broadcast_in_dim3A_14 = arith.constant 0x7F800000 : f32
    %broadcast_in_dim3A_15 = vector.broadcast %broadcast_in_dim3A_14 : f32 to vector<2048xf32>
    %broadcast_in_dim3A_16 = arith.constant 0 : i32
    %broadcast_in_dim3A_17 = vector.broadcast %broadcast_in_dim3A_16 : i32 to vector<2048xi32>
    %get3A_18 = arith.constant 0 : index
    %get3A_19 = arith.constant 0 : index
    %get3A_20 = vector.load %arg3[%get3A_18, %get3A_19] : memref<8192x32xf32, #tpu.memory_space<vmem>>, vector<2048x32xf32>
    %convert_element_type3A_21 = arith.truncf %get3A_20 : vector<2048x32xf32> to vector<2048x32xbf16>
    %dot_general3A_22 = arith.constant dense<0.000000e+00> : vector<2048x2048xf32>
    %dot_general3A_23 = tpu.matmul %convert_element_type3A_11, %convert_element_type3A_21, %dot_general3A_22 {dimension_numbers = #tpu.dot_dimension_numbers<[1], [1], [0], [0], [0, 0, 1, 0], [], []>, transpose_lhs_hint = false} : vector<2048x32xbf16>, vector<2048x32xbf16>, vector<2048x2048xf32> -> vector<2048x2048xf32>
    %broadcast_in_dim3A_24 = arith.constant 0x7F800000 : f32
    %broadcast_in_dim3A_25 = vector.broadcast %broadcast_in_dim3A_24 : f32 to vector<2048x128xf32>
    %broadcast_in_dim3A_26 = arith.constant 0 : i32
    %broadcast_in_dim3A_27 = vector.broadcast %broadcast_in_dim3A_26 : i32 to vector<2048x128xi32>
    %slice3A = vector.extract_strided_slice %dot_general3A_23 {offsets = [0, 0], sizes = [2048, 128], strides = [1, 1]} : vector<2048x2048xf32> to vector<2048x128xf32>
    %sub3A = vector.broadcast %broadcast_in_dim3A : vector<2048x1xf32> to vector<2048x128xf32>
    %sub3A_28 = arith.subf %sub3A, %slice3A : vector<2048x128xf32>
    %get3A_29 = arith.constant 0 : index
    %get3A_30 = arith.constant 0 : index
    %get3A_31 = vector.load %arg4[%get3A_29, %get3A_30] : memref<1x8192xf32, #tpu.memory_space<vmem>>, vector<1x128xf32>
    %add3A = vector.broadcast %get3A_31 : vector<1x128xf32> to vector<2048x128xf32>
    %add3A_32 = arith.addf %sub3A_28, %add3A : vector<2048x128xf32>
    %lt3A = arith.cmpf olt, %add3A_32, %broadcast_in_dim3A_25 : vector<2048x128xf32>
    %add3A_33 = arith.constant 0 : i32
    %add3A_34 = vector.broadcast %add3A_33 : i32 to vector<2048x128xi32>
    %add3A_35 = arith.addi %iota3A, %add3A_34 : vector<2048x128xi32>
    %select_n3A = arith.select %lt3A, %add3A_35, %broadcast_in_dim3A_27 : vector<2048x128xi1>, vector<2048x128xi32>
    %select_n3A_36 = arith.select %lt3A, %add3A_32, %broadcast_in_dim3A_25 : vector<2048x128xi1>, vector<2048x128xf32>
    %slice3A_37 = vector.extract_strided_slice %dot_general3A_23 {offsets = [0, 128], sizes = [2048, 128], strides = [1, 1]} : vector<2048x2048xf32> to vector<2048x128xf32>
    %sub3A_38 = vector.broadcast %broadcast_in_dim3A : vector<2048x1xf32> to vector<2048x128xf32>
    %sub3A_39 = arith.subf %sub3A_38, %slice3A_37 : vector<2048x128xf32>
    %get3A_40 = arith.constant 0 : index
    %get3A_41 = arith.constant 128 : index
    %get3A_42 = vector.load %arg4[%get3A_40, %get3A_41] : memref<1x8192xf32, #tpu.memory_space<vmem>>, vector<1x128xf32>
    %add3A_43 = vector.broadcast %get3A_42 : vector<1x128xf32> to vector<2048x128xf32>
    %add3A_44 = arith.addf %sub3A_39, %add3A_43 : vector<2048x128xf32>
    %lt3A_45 = arith.cmpf olt, %add3A_44, %select_n3A_36 : vector<2048x128xf32>
    %add3A_46 = arith.constant 128 : i32
    %add3A_47 = vector.broadcast %add3A_46 : i32 to vector<2048x128xi32>
    %add3A_48 = arith.addi %iota3A, %add3A_47 : vector<2048x128xi32>
    %select_n3A_49 = arith.select %lt3A_45, %add3A_48, %select_n3A : vector<2048x128xi1>, vector<2048x128xi32>
    %select_n3A_50 = arith.select %lt3A_45, %add3A_44, %select_n3A_36 : vector<2048x128xi1>, vector<2048x128xf32>
    %slice3A_51 = vector.extract_strided_slice %dot_general3A_23 {offsets = [0, 256], sizes = [2048, 128], strides = [1, 1]} : vector<2048x2048xf32> to vector<2048x128xf32>
    %sub3A_52 = vector.broadcast %broadcast_in_dim3A : vector<2048x1xf32> to vector<2048x128xf32>
    %sub3A_53 = arith.subf %sub3A_52, %slice3A_51 : vector<2048x128xf32>
    %get3A_54 = arith.constant 0 : index
    %get3A_55 = arith.constant 256 : index
    %get3A_56 = vector.load %arg4[%get3A_54, %get3A_55] : memref<1x8192xf32, #tpu.memory_space<vmem>>, vector<1x128xf32>
    %add3A_57 = vector.broadcast %get3A_56 : vector<1x128xf32> to vector<2048x128xf32>
    %add3A_58 = arith.addf %sub3A_53, %add3A_57 : vector<2048x128xf32>
    %lt3A_59 = arith.cmpf olt, %add3A_58, %select_n3A_50 : vector<2048x128xf32>
    %add3A_60 = arith.constant 256 : i32
    %add3A_61 = vector.broadcast %add3A_60 : i32 to vector<2048x128xi32>
    %add3A_62 = arith.addi %iota3A, %add3A_61 : vector<2048x128xi32>
    %select_n3A_63 = arith.select %lt3A_59, %add3A_62, %select_n3A_49 : vector<2048x128xi1>, vector<2048x128xi32>
    %select_n3A_64 = arith.select %lt3A_59, %add3A_58, %select_n3A_50 : vector<2048x128xi1>, vector<2048x128xf32>
    %slice3A_65 = vector.extract_strided_slice %dot_general3A_23 {offsets = [0, 384], sizes = [2048, 128], strides = [1, 1]} : vector<2048x2048xf32> to vector<2048x128xf32>
    %sub3A_66 = vector.broadcast %broadcast_in_dim3A : vector<2048x1xf32> to vector<2048x128xf32>
    %sub3A_67 = arith.subf %sub3A_66, %slice3A_65 : vector<2048x128xf32>
    %get3A_68 = arith.constant 0 : index
    %get3A_69 = arith.constant 384 : index
    %get3A_70 = vector.load %arg4[%get3A_68, %get3A_69] : memref<1x8192xf32, #tpu.memory_space<vmem>>, vector<1x128xf32>
    %add3A_71 = vector.broadcast %get3A_70 : vector<1x128xf32> to vector<2048x128xf32>
    %add3A_72 = arith.addf %sub3A_67, %add3A_71 : vector<2048x128xf32>
    %lt3A_73 = arith.cmpf olt, %add3A_72, %select_n3A_64 : vector<2048x128xf32>
    %add3A_74 = arith.constant 384 : i32
    %add3A_75 = vector.broadcast %add3A_74 : i32 to vector<2048x128xi32>
    %add3A_76 = arith.addi %iota3A, %add3A_75 : vector<2048x128xi32>
    %select_n3A_77 = arith.select %lt3A_73, %add3A_76, %select_n3A_63 : vector<2048x128xi1>, vector<2048x128xi32>
    %select_n3A_78 = arith.select %lt3A_73, %add3A_72, %select_n3A_64 : vector<2048x128xi1>, vector<2048x128xf32>
    %slice3A_79 = vector.extract_strided_slice %dot_general3A_23 {offsets = [0, 512], sizes = [2048, 128], strides = [1, 1]} : vector<2048x2048xf32> to vector<2048x128xf32>
    %sub3A_80 = vector.broadcast %broadcast_in_dim3A : vector<2048x1xf32> to vector<2048x128xf32>
    %sub3A_81 = arith.subf %sub3A_80, %slice3A_79 : vector<2048x128xf32>
    %get3A_82 = arith.constant 0 : index
    %get3A_83 = arith.constant 512 : index
    %get3A_84 = vector.load %arg4[%get3A_82, %get3A_83] : memref<1x8192xf32, #tpu.memory_space<vmem>>, vector<1x128xf32>
    %add3A_85 = vector.broadcast %get3A_84 : vector<1x128xf32> to vector<2048x128xf32>
    %add3A_86 = arith.addf %sub3A_81, %add3A_85 : vector<2048x128xf32>
    %lt3A_87 = arith.cmpf olt, %add3A_86, %select_n3A_78 : vector<2048x128xf32>
    %add3A_88 = arith.constant 512 : i32
    %add3A_89 = vector.broadcast %add3A_88 : i32 to vector<2048x128xi32>
    %add3A_90 = arith.addi %iota3A, %add3A_89 : vector<2048x128xi32>
    %select_n3A_91 = arith.select %lt3A_87, %add3A_90, %select_n3A_77 : vector<2048x128xi1>, vector<2048x128xi32>
    %select_n3A_92 = arith.select %lt3A_87, %add3A_86, %select_n3A_78 : vector<2048x128xi1>, vector<2048x128xf32>
    %slice3A_93 = vector.extract_strided_slice %dot_general3A_23 {offsets = [0, 640], sizes = [2048, 128], strides = [1, 1]} : vector<2048x2048xf32> to vector<2048x128xf32>
    %sub3A_94 = vector.broadcast %broadcast_in_dim3A : vector<2048x1xf32> to vector<2048x128xf32>
    %sub3A_95 = arith.subf %sub3A_94, %slice3A_93 : vector<2048x128xf32>
    %get3A_96 = arith.constant 0 : index
    %get3A_97 = arith.constant 640 : index
    %get3A_98 = vector.load %arg4[%get3A_96, %get3A_97] : memref<1x8192xf32, #tpu.memory_space<vmem>>, vector<1x128xf32>
    %add3A_99 = vector.broadcast %get3A_98 : vector<1x128xf32> to vector<2048x128xf32>
    %add3A_100 = arith.addf %sub3A_95, %add3A_99 : vector<2048x128xf32>
    %lt3A_101 = arith.cmpf olt, %add3A_100, %select_n3A_92 : vector<2048x128xf32>
    %add3A_102 = arith.constant 640 : i32
    %add3A_103 = vector.broadcast %add3A_102 : i32 to vector<2048x128xi32>
    %add3A_104 = arith.addi %iota3A, %add3A_103 : vector<2048x128xi32>
    %select_n3A_105 = arith.select %lt3A_101, %add3A_104, %select_n3A_91 : vector<2048x128xi1>, vector<2048x128xi32>
    %select_n3A_106 = arith.select %lt3A_101, %add3A_100, %select_n3A_92 : vector<2048x128xi1>, vector<2048x128xf32>
    %slice3A_107 = vector.extract_strided_slice %dot_general3A_23 {offsets = [0, 768], sizes = [2048, 128], strides = [1, 1]} : vector<2048x2048xf32> to vector<2048x128xf32>
    %sub3A_108 = vector.broadcast %broadcast_in_dim3A : vector<2048x1xf32> to vector<2048x128xf32>
    %sub3A_109 = arith.subf %sub3A_108, %slice3A_107 : vector<2048x128xf32>
    %get3A_110 = arith.constant 0 : index
    %get3A_111 = arith.constant 768 : index
    %get3A_112 = vector.load %arg4[%get3A_110, %get3A_111] : memref<1x8192xf32, #tpu.memory_space<vmem>>, vector<1x128xf32>
    %add3A_113 = vector.broadcast %get3A_112 : vector<1x128xf32> to vector<2048x128xf32>
    %add3A_114 = arith.addf %sub3A_109, %add3A_113 : vector<2048x128xf32>
    %lt3A_115 = arith.cmpf olt, %add3A_114, %select_n3A_106 : vector<2048x128xf32>
    %add3A_116 = arith.constant 768 : i32
    %add3A_117 = vector.broadcast %add3A_116 : i32 to vector<2048x128xi32>
    %add3A_118 = arith.addi %iota3A, %add3A_117 : vector<2048x128xi32>
    %select_n3A_119 = arith.select %lt3A_115, %add3A_118, %select_n3A_105 : vector<2048x128xi1>, vector<2048x128xi32>
    %select_n3A_120 = arith.select %lt3A_115, %add3A_114, %select_n3A_106 : vector<2048x128xi1>, vector<2048x128xf32>
    %slice3A_121 = vector.extract_strided_slice %dot_general3A_23 {offsets = [0, 896], sizes = [2048, 128], strides = [1, 1]} : vector<2048x2048xf32> to vector<2048x128xf32>
    %sub3A_122 = vector.broadcast %broadcast_in_dim3A : vector<2048x1xf32> to vector<2048x128xf32>
    %sub3A_123 = arith.subf %sub3A_122, %slice3A_121 : vector<2048x128xf32>
    %get3A_124 = arith.constant 0 : index
    %get3A_125 = arith.constant 896 : index
    %get3A_126 = vector.load %arg4[%get3A_124, %get3A_125] : memref<1x8192xf32, #tpu.memory_space<vmem>>, vector<1x128xf32>
    %add3A_127 = vector.broadcast %get3A_126 : vector<1x128xf32> to vector<2048x128xf32>
    %add3A_128 = arith.addf %sub3A_123, %add3A_127 : vector<2048x128xf32>
    %lt3A_129 = arith.cmpf olt, %add3A_128, %select_n3A_120 : vector<2048x128xf32>
    %add3A_130 = arith.constant 896 : i32
    %add3A_131 = vector.broadcast %add3A_130 : i32 to vector<2048x128xi32>
    %add3A_132 = arith.addi %iota3A, %add3A_131 : vector<2048x128xi32>
    %select_n3A_133 = arith.select %lt3A_129, %add3A_132, %select_n3A_119 : vector<2048x128xi1>, vector<2048x128xi32>
    %select_n3A_134 = arith.select %lt3A_129, %add3A_128, %select_n3A_120 : vector<2048x128xi1>, vector<2048x128xf32>
    %slice3A_135 = vector.extract_strided_slice %dot_general3A_23 {offsets = [0, 1024], sizes = [2048, 128], strides = [1, 1]} : vector<2048x2048xf32> to vector<2048x128xf32>
    %sub3A_136 = vector.broadcast %broadcast_in_dim3A : vector<2048x1xf32> to vector<2048x128xf32>
    %sub3A_137 = arith.subf %sub3A_136, %slice3A_135 : vector<2048x128xf32>
    %get3A_138 = arith.constant 0 : index
    %get3A_139 = arith.constant 1024 : index
    %get3A_140 = vector.load %arg4[%get3A_138, %get3A_139] : memref<1x8192xf32, #tpu.memory_space<vmem>>, vector<1x128xf32>
    %add3A_141 = vector.broadcast %get3A_140 : vector<1x128xf32> to vector<2048x128xf32>
    %add3A_142 = arith.addf %sub3A_137, %add3A_141 : vector<2048x128xf32>
    %lt3A_143 = arith.cmpf olt, %add3A_142, %select_n3A_134 : vector<2048x128xf32>
    %add3A_144 = arith.constant 1024 : i32
    %add3A_145 = vector.broadcast %add3A_144 : i32 to vector<2048x128xi32>
    %add3A_146 = arith.addi %iota3A, %add3A_145 : vector<2048x128xi32>
    %select_n3A_147 = arith.select %lt3A_143, %add3A_146, %select_n3A_133 : vector<2048x128xi1>, vector<2048x128xi32>
    %select_n3A_148 = arith.select %lt3A_143, %add3A_142, %select_n3A_134 : vector<2048x128xi1>, vector<2048x128xf32>
    %slice3A_149 = vector.extract_strided_slice %dot_general3A_23 {offsets = [0, 1152], sizes = [2048, 128], strides = [1, 1]} : vector<2048x2048xf32> to vector<2048x128xf32>
    %sub3A_150 = vector.broadcast %broadcast_in_dim3A : vector<2048x1xf32> to vector<2048x128xf32>
    %sub3A_151 = arith.subf %sub3A_150, %slice3A_149 : vector<2048x128xf32>
    %get3A_152 = arith.constant 0 : index
    %get3A_153 = arith.constant 1152 : index
    %get3A_154 = vector.load %arg4[%get3A_152, %get3A_153] : memref<1x8192xf32, #tpu.memory_space<vmem>>, vector<1x128xf32>
    %add3A_155 = vector.broadcast %get3A_154 : vector<1x128xf32> to vector<2048x128xf32>
    %add3A_156 = arith.addf %sub3A_151, %add3A_155 : vector<2048x128xf32>
    %lt3A_157 = arith.cmpf olt, %add3A_156, %select_n3A_148 : vector<2048x128xf32>
    %add3A_158 = arith.constant 1152 : i32
    %add3A_159 = vector.broadcast %add3A_158 : i32 to vector<2048x128xi32>
    %add3A_160 = arith.addi %iota3A, %add3A_159 : vector<2048x128xi32>
    %select_n3A_161 = arith.select %lt3A_157, %add3A_160, %select_n3A_147 : vector<2048x128xi1>, vector<2048x128xi32>
    %select_n3A_162 = arith.select %lt3A_157, %add3A_156, %select_n3A_148 : vector<2048x128xi1>, vector<2048x128xf32>
    %slice3A_163 = vector.extract_strided_slice %dot_general3A_23 {offsets = [0, 1280], sizes = [2048, 128], strides = [1, 1]} : vector<2048x2048xf32> to vector<2048x128xf32>
    %sub3A_164 = vector.broadcast %broadcast_in_dim3A : vector<2048x1xf32> to vector<2048x128xf32>
    %sub3A_165 = arith.subf %sub3A_164, %slice3A_163 : vector<2048x128xf32>
    %get3A_166 = arith.constant 0 : index
    %get3A_167 = arith.constant 1280 : index
    %get3A_168 = vector.load %arg4[%get3A_166, %get3A_167] : memref<1x8192xf32, #tpu.memory_space<vmem>>, vector<1x128xf32>
    %add3A_169 = vector.broadcast %get3A_168 : vector<1x128xf32> to vector<2048x128xf32>
    %add3A_170 = arith.addf %sub3A_165, %add3A_169 : vector<2048x128xf32>
    %lt3A_171 = arith.cmpf olt, %add3A_170, %select_n3A_162 : vector<2048x128xf32>
    %add3A_172 = arith.constant 1280 : i32
    %add3A_173 = vector.broadcast %add3A_172 : i32 to vector<2048x128xi32>
    %add3A_174 = arith.addi %iota3A, %add3A_173 : vector<2048x128xi32>
    %select_n3A_175 = arith.select %lt3A_171, %add3A_174, %select_n3A_161 : vector<2048x128xi1>, vector<2048x128xi32>
    %select_n3A_176 = arith.select %lt3A_171, %add3A_170, %select_n3A_162 : vector<2048x128xi1>, vector<2048x128xf32>
    %slice3A_177 = vector.extract_strided_slice %dot_general3A_23 {offsets = [0, 1408], sizes = [2048, 128], strides = [1, 1]} : vector<2048x2048xf32> to vector<2048x128xf32>
    %sub3A_178 = vector.broadcast %broadcast_in_dim3A : vector<2048x1xf32> to vector<2048x128xf32>
    %sub3A_179 = arith.subf %sub3A_178, %slice3A_177 : vector<2048x128xf32>
    %get3A_180 = arith.constant 0 : index
    %get3A_181 = arith.constant 1408 : index
    %get3A_182 = vector.load %arg4[%get3A_180, %get3A_181] : memref<1x8192xf32, #tpu.memory_space<vmem>>, vector<1x128xf32>
    %add3A_183 = vector.broadcast %get3A_182 : vector<1x128xf32> to vector<2048x128xf32>
    %add3A_184 = arith.addf %sub3A_179, %add3A_183 : vector<2048x128xf32>
    %lt3A_185 = arith.cmpf olt, %add3A_184, %select_n3A_176 : vector<2048x128xf32>
    %add3A_186 = arith.constant 1408 : i32
    %add3A_187 = vector.broadcast %add3A_186 : i32 to vector<2048x128xi32>
    %add3A_188 = arith.addi %iota3A, %add3A_187 : vector<2048x128xi32>
    %select_n3A_189 = arith.select %lt3A_185, %add3A_188, %select_n3A_175 : vector<2048x128xi1>, vector<2048x128xi32>
    %select_n3A_190 = arith.select %lt3A_185, %add3A_184, %select_n3A_176 : vector<2048x128xi1>, vector<2048x128xf32>
    %slice3A_191 = vector.extract_strided_slice %dot_general3A_23 {offsets = [0, 1536], sizes = [2048, 128], strides = [1, 1]} : vector<2048x2048xf32> to vector<2048x128xf32>
    %sub3A_192 = vector.broadcast %broadcast_in_dim3A : vector<2048x1xf32> to vector<2048x128xf32>
    %sub3A_193 = arith.subf %sub3A_192, %slice3A_191 : vector<2048x128xf32>
    %get3A_194 = arith.constant 0 : index
    %get3A_195 = arith.constant 1536 : index
    %get3A_196 = vector.load %arg4[%get3A_194, %get3A_195] : memref<1x8192xf32, #tpu.memory_space<vmem>>, vector<1x128xf32>
    %add3A_197 = vector.broadcast %get3A_196 : vector<1x128xf32> to vector<2048x128xf32>
    %add3A_198 = arith.addf %sub3A_193, %add3A_197 : vector<2048x128xf32>
    %lt3A_199 = arith.cmpf olt, %add3A_198, %select_n3A_190 : vector<2048x128xf32>
    %add3A_200 = arith.constant 1536 : i32
    %add3A_201 = vector.broadcast %add3A_200 : i32 to vector<2048x128xi32>
    %add3A_202 = arith.addi %iota3A, %add3A_201 : vector<2048x128xi32>
    %select_n3A_203 = arith.select %lt3A_199, %add3A_202, %select_n3A_189 : vector<2048x128xi1>, vector<2048x128xi32>
    %select_n3A_204 = arith.select %lt3A_199, %add3A_198, %select_n3A_190 : vector<2048x128xi1>, vector<2048x128xf32>
    %slice3A_205 = vector.extract_strided_slice %dot_general3A_23 {offsets = [0, 1664], sizes = [2048, 128], strides = [1, 1]} : vector<2048x2048xf32> to vector<2048x128xf32>
    %sub3A_206 = vector.broadcast %broadcast_in_dim3A : vector<2048x1xf32> to vector<2048x128xf32>
    %sub3A_207 = arith.subf %sub3A_206, %slice3A_205 : vector<2048x128xf32>
    %get3A_208 = arith.constant 0 : index
    %get3A_209 = arith.constant 1664 : index
    %get3A_210 = vector.load %arg4[%get3A_208, %get3A_209] : memref<1x8192xf32, #tpu.memory_space<vmem>>, vector<1x128xf32>
    %add3A_211 = vector.broadcast %get3A_210 : vector<1x128xf32> to vector<2048x128xf32>
    %add3A_212 = arith.addf %sub3A_207, %add3A_211 : vector<2048x128xf32>
    %lt3A_213 = arith.cmpf olt, %add3A_212, %select_n3A_204 : vector<2048x128xf32>
    %add3A_214 = arith.constant 1664 : i32
    %add3A_215 = vector.broadcast %add3A_214 : i32 to vector<2048x128xi32>
    %add3A_216 = arith.addi %iota3A, %add3A_215 : vector<2048x128xi32>
    %select_n3A_217 = arith.select %lt3A_213, %add3A_216, %select_n3A_203 : vector<2048x128xi1>, vector<2048x128xi32>
    %select_n3A_218 = arith.select %lt3A_213, %add3A_212, %select_n3A_204 : vector<2048x128xi1>, vector<2048x128xf32>
    %slice3A_219 = vector.extract_strided_slice %dot_general3A_23 {offsets = [0, 1792], sizes = [2048, 128], strides = [1, 1]} : vector<2048x2048xf32> to vector<2048x128xf32>
    %sub3A_220 = vector.broadcast %broadcast_in_dim3A : vector<2048x1xf32> to vector<2048x128xf32>
    %sub3A_221 = arith.subf %sub3A_220, %slice3A_219 : vector<2048x128xf32>
    %get3A_222 = arith.constant 0 : index
    %get3A_223 = arith.constant 1792 : index
    %get3A_224 = vector.load %arg4[%get3A_222, %get3A_223] : memref<1x8192xf32, #tpu.memory_space<vmem>>, vector<1x128xf32>
    %add3A_225 = vector.broadcast %get3A_224 : vector<1x128xf32> to vector<2048x128xf32>
    %add3A_226 = arith.addf %sub3A_221, %add3A_225 : vector<2048x128xf32>
    %lt3A_227 = arith.cmpf olt, %add3A_226, %select_n3A_218 : vector<2048x128xf32>
    %add3A_228 = arith.constant 1792 : i32
    %add3A_229 = vector.broadcast %add3A_228 : i32 to vector<2048x128xi32>
    %add3A_230 = arith.addi %iota3A, %add3A_229 : vector<2048x128xi32>
    %select_n3A_231 = arith.select %lt3A_227, %add3A_230, %select_n3A_217 : vector<2048x128xi1>, vector<2048x128xi32>
    %select_n3A_232 = arith.select %lt3A_227, %add3A_226, %select_n3A_218 : vector<2048x128xi1>, vector<2048x128xf32>
    %slice3A_233 = vector.extract_strided_slice %dot_general3A_23 {offsets = [0, 1920], sizes = [2048, 128], strides = [1, 1]} : vector<2048x2048xf32> to vector<2048x128xf32>
    %sub3A_234 = vector.broadcast %broadcast_in_dim3A : vector<2048x1xf32> to vector<2048x128xf32>
    %sub3A_235 = arith.subf %sub3A_234, %slice3A_233 : vector<2048x128xf32>
    %get3A_236 = arith.constant 0 : index
    %get3A_237 = arith.constant 1920 : index
    %get3A_238 = vector.load %arg4[%get3A_236, %get3A_237] : memref<1x8192xf32, #tpu.memory_space<vmem>>, vector<1x128xf32>
    %add3A_239 = vector.broadcast %get3A_238 : vector<1x128xf32> to vector<2048x128xf32>
    %add3A_240 = arith.addf %sub3A_235, %add3A_239 : vector<2048x128xf32>
    %lt3A_241 = arith.cmpf olt, %add3A_240, %select_n3A_232 : vector<2048x128xf32>
    %add3A_242 = arith.constant 1920 : i32
    %add3A_243 = vector.broadcast %add3A_242 : i32 to vector<2048x128xi32>
    %add3A_244 = arith.addi %iota3A, %add3A_243 : vector<2048x128xi32>
    %select_n3A_245 = arith.select %lt3A_241, %add3A_244, %select_n3A_231 : vector<2048x128xi1>, vector<2048x128xi32>
    %select_n3A_246 = arith.select %lt3A_241, %add3A_240, %select_n3A_232 : vector<2048x128xi1>, vector<2048x128xf32>
    %reduce_min3A = arith.constant dense<0x7F800000> : vector<2048xf32>
    %reduce_min3A_247 = vector.multi_reduction <minimumf>, %select_n3A_246, %reduce_min3A [1] : vector<2048x128xf32> to vector<2048xf32>
    %broadcast_in_dim3A_248 = vector.shape_cast %reduce_min3A_247 : vector<2048xf32> to vector<2048x1xf32>
    %eq3A = vector.broadcast %broadcast_in_dim3A_248 : vector<2048x1xf32> to vector<2048x128xf32>
    %eq3A_249 = arith.cmpf oeq, %select_n3A_246, %eq3A : vector<2048x128xf32>
    %jit3A = arith.constant 2147483647 : i32
    %broadcast_in_dim3A_250 = vector.broadcast %jit3A : i32 to vector<2048x128xi32>
    %select_n3A_251 = arith.select %eq3A_249, %select_n3A_245, %broadcast_in_dim3A_250 : vector<2048x128xi1>, vector<2048x128xi32>
    %reduce_min3A_252 = arith.constant dense<2147483647> : vector<2048xi32>
    %reduce_min3A_253 = vector.multi_reduction <minsi>, %select_n3A_251, %reduce_min3A_252 [1] : vector<2048x128xi32> to vector<2048xi32>
    %lt3A_254 = arith.cmpf olt, %reduce_min3A_247, %broadcast_in_dim3A_15 : vector<2048xf32>
    %select_n3A_255 = arith.select %lt3A_254, %reduce_min3A_253, %broadcast_in_dim3A_17 : vector<2048xi1>, vector<2048xi32>
    %select_n3A_256 = arith.select %lt3A_254, %reduce_min3A_247, %broadcast_in_dim3A_15 : vector<2048xi1>, vector<2048xf32>
    %convert_element_type3A_257 = arith.truncf %select_n3A_256 : vector<2048xf32> to vector<2048xbf16>
    %convert_element_type3A_258 = arith.extf %convert_element_type3A_257 : vector<2048xbf16> to vector<2048xf32>
    %get3A_259 = arith.constant 2048 : index
    %get3A_260 = arith.constant 0 : index
    %get3A_261 = vector.load %arg3[%get3A_259, %get3A_260] : memref<8192x32xf32, #tpu.memory_space<vmem>>, vector<2048x32xf32>
    %convert_element_type3A_262 = arith.truncf %get3A_261 : vector<2048x32xf32> to vector<2048x32xbf16>
    %dot_general3A_263 = arith.constant dense<0.000000e+00> : vector<2048x2048xf32>
    %dot_general3A_264 = tpu.matmul %convert_element_type3A_11, %convert_element_type3A_262, %dot_general3A_263 {dimension_numbers = #tpu.dot_dimension_numbers<[1], [1], [0], [0], [0, 0, 1, 0], [], []>, transpose_lhs_hint = false} : vector<2048x32xbf16>, vector<2048x32xbf16>, vector<2048x2048xf32> -> vector<2048x2048xf32>
    %broadcast_in_dim3A_265 = arith.constant 0x7F800000 : f32
    %broadcast_in_dim3A_266 = vector.broadcast %broadcast_in_dim3A_265 : f32 to vector<2048x128xf32>
    %broadcast_in_dim3A_267 = arith.constant 0 : i32
    %broadcast_in_dim3A_268 = vector.broadcast %broadcast_in_dim3A_267 : i32 to vector<2048x128xi32>
    %slice3A_269 = vector.extract_strided_slice %dot_general3A_264 {offsets = [0, 0], sizes = [2048, 128], strides = [1, 1]} : vector<2048x2048xf32> to vector<2048x128xf32>
    %sub3A_270 = vector.broadcast %broadcast_in_dim3A : vector<2048x1xf32> to vector<2048x128xf32>
    %sub3A_271 = arith.subf %sub3A_270, %slice3A_269 : vector<2048x128xf32>
    %get3A_272 = arith.constant 0 : index
    %get3A_273 = arith.constant 2048 : index
    %get3A_274 = vector.load %arg4[%get3A_272, %get3A_273] : memref<1x8192xf32, #tpu.memory_space<vmem>>, vector<1x128xf32>
    %add3A_275 = vector.broadcast %get3A_274 : vector<1x128xf32> to vector<2048x128xf32>
    %add3A_276 = arith.addf %sub3A_271, %add3A_275 : vector<2048x128xf32>
    %lt3A_277 = arith.cmpf olt, %add3A_276, %broadcast_in_dim3A_266 : vector<2048x128xf32>
    %add3A_278 = arith.constant 2048 : i32
    %add3A_279 = vector.broadcast %add3A_278 : i32 to vector<2048x128xi32>
    %add3A_280 = arith.addi %iota3A, %add3A_279 : vector<2048x128xi32>
    %select_n3A_281 = arith.select %lt3A_277, %add3A_280, %broadcast_in_dim3A_268 : vector<2048x128xi1>, vector<2048x128xi32>
    %select_n3A_282 = arith.select %lt3A_277, %add3A_276, %broadcast_in_dim3A_266 : vector<2048x128xi1>, vector<2048x128xf32>
    %slice3A_283 = vector.extract_strided_slice %dot_general3A_264 {offsets = [0, 128], sizes = [2048, 128], strides = [1, 1]} : vector<2048x2048xf32> to vector<2048x128xf32>
    %sub3A_284 = vector.broadcast %broadcast_in_dim3A : vector<2048x1xf32> to vector<2048x128xf32>
    %sub3A_285 = arith.subf %sub3A_284, %slice3A_283 : vector<2048x128xf32>
    %get3A_286 = arith.constant 0 : index
    %get3A_287 = arith.constant 2176 : index
    %get3A_288 = vector.load %arg4[%get3A_286, %get3A_287] : memref<1x8192xf32, #tpu.memory_space<vmem>>, vector<1x128xf32>
    %add3A_289 = vector.broadcast %get3A_288 : vector<1x128xf32> to vector<2048x128xf32>
    %add3A_290 = arith.addf %sub3A_285, %add3A_289 : vector<2048x128xf32>
    %lt3A_291 = arith.cmpf olt, %add3A_290, %select_n3A_282 : vector<2048x128xf32>
    %add3A_292 = arith.constant 2176 : i32
    %add3A_293 = vector.broadcast %add3A_292 : i32 to vector<2048x128xi32>
    %add3A_294 = arith.addi %iota3A, %add3A_293 : vector<2048x128xi32>
    %select_n3A_295 = arith.select %lt3A_291, %add3A_294, %select_n3A_281 : vector<2048x128xi1>, vector<2048x128xi32>
    %select_n3A_296 = arith.select %lt3A_291, %add3A_290, %select_n3A_282 : vector<2048x128xi1>, vector<2048x128xf32>
    %slice3A_297 = vector.extract_strided_slice %dot_general3A_264 {offsets = [0, 256], sizes = [2048, 128], strides = [1, 1]} : vector<2048x2048xf32> to vector<2048x128xf32>
    %sub3A_298 = vector.broadcast %broadcast_in_dim3A : vector<2048x1xf32> to vector<2048x128xf32>
    %sub3A_299 = arith.subf %sub3A_298, %slice3A_297 : vector<2048x128xf32>
    %get3A_300 = arith.constant 0 : index
    %get3A_301 = arith.constant 2304 : index
    %get3A_302 = vector.load %arg4[%get3A_300, %get3A_301] : memref<1x8192xf32, #tpu.memory_space<vmem>>, vector<1x128xf32>
    %add3A_303 = vector.broadcast %get3A_302 : vector<1x128xf32> to vector<2048x128xf32>
    %add3A_304 = arith.addf %sub3A_299, %add3A_303 : vector<2048x128xf32>
    %lt3A_305 = arith.cmpf olt, %add3A_304, %select_n3A_296 : vector<2048x128xf32>
    %add3A_306 = arith.constant 2304 : i32
    %add3A_307 = vector.broadcast %add3A_306 : i32 to vector<2048x128xi32>
    %add3A_308 = arith.addi %iota3A, %add3A_307 : vector<2048x128xi32>
    %select_n3A_309 = arith.select %lt3A_305, %add3A_308, %select_n3A_295 : vector<2048x128xi1>, vector<2048x128xi32>
    %select_n3A_310 = arith.select %lt3A_305, %add3A_304, %select_n3A_296 : vector<2048x128xi1>, vector<2048x128xf32>
    %slice3A_311 = vector.extract_strided_slice %dot_general3A_264 {offsets = [0, 384], sizes = [2048, 128], strides = [1, 1]} : vector<2048x2048xf32> to vector<2048x128xf32>
    %sub3A_312 = vector.broadcast %broadcast_in_dim3A : vector<2048x1xf32> to vector<2048x128xf32>
    %sub3A_313 = arith.subf %sub3A_312, %slice3A_311 : vector<2048x128xf32>
    %get3A_314 = arith.constant 0 : index
    %get3A_315 = arith.constant 2432 : index
    %get3A_316 = vector.load %arg4[%get3A_314, %get3A_315] : memref<1x8192xf32, #tpu.memory_space<vmem>>, vector<1x128xf32>
    %add3A_317 = vector.broadcast %get3A_316 : vector<1x128xf32> to vector<2048x128xf32>
    %add3A_318 = arith.addf %sub3A_313, %add3A_317 : vector<2048x128xf32>
    %lt3A_319 = arith.cmpf olt, %add3A_318, %select_n3A_310 : vector<2048x128xf32>
    %add3A_320 = arith.constant 2432 : i32
    %add3A_321 = vector.broadcast %add3A_320 : i32 to vector<2048x128xi32>
    %add3A_322 = arith.addi %iota3A, %add3A_321 : vector<2048x128xi32>
    %select_n3A_323 = arith.select %lt3A_319, %add3A_322, %select_n3A_309 : vector<2048x128xi1>, vector<2048x128xi32>
    %select_n3A_324 = arith.select %lt3A_319, %add3A_318, %select_n3A_310 : vector<2048x128xi1>, vector<2048x128xf32>
    %slice3A_325 = vector.extract_strided_slice %dot_general3A_264 {offsets = [0, 512], sizes = [2048, 128], strides = [1, 1]} : vector<2048x2048xf32> to vector<2048x128xf32>
    %sub3A_326 = vector.broadcast %broadcast_in_dim3A : vector<2048x1xf32> to vector<2048x128xf32>
    %sub3A_327 = arith.subf %sub3A_326, %slice3A_325 : vector<2048x128xf32>
    %get3A_328 = arith.constant 0 : index
    %get3A_329 = arith.constant 2560 : index
    %get3A_330 = vector.load %arg4[%get3A_328, %get3A_329] : memref<1x8192xf32, #tpu.memory_space<vmem>>, vector<1x128xf32>
    %add3A_331 = vector.broadcast %get3A_330 : vector<1x128xf32> to vector<2048x128xf32>
    %add3A_332 = arith.addf %sub3A_327, %add3A_331 : vector<2048x128xf32>
    %lt3A_333 = arith.cmpf olt, %add3A_332, %select_n3A_324 : vector<2048x128xf32>
    %add3A_334 = arith.constant 2560 : i32
    %add3A_335 = vector.broadcast %add3A_334 : i32 to vector<2048x128xi32>
    %add3A_336 = arith.addi %iota3A, %add3A_335 : vector<2048x128xi32>
    %select_n3A_337 = arith.select %lt3A_333, %add3A_336, %select_n3A_323 : vector<2048x128xi1>, vector<2048x128xi32>
    %select_n3A_338 = arith.select %lt3A_333, %add3A_332, %select_n3A_324 : vector<2048x128xi1>, vector<2048x128xf32>
    %slice3A_339 = vector.extract_strided_slice %dot_general3A_264 {offsets = [0, 640], sizes = [2048, 128], strides = [1, 1]} : vector<2048x2048xf32> to vector<2048x128xf32>
    %sub3A_340 = vector.broadcast %broadcast_in_dim3A : vector<2048x1xf32> to vector<2048x128xf32>
    %sub3A_341 = arith.subf %sub3A_340, %slice3A_339 : vector<2048x128xf32>
    %get3A_342 = arith.constant 0 : index
    %get3A_343 = arith.constant 2688 : index
    %get3A_344 = vector.load %arg4[%get3A_342, %get3A_343] : memref<1x8192xf32, #tpu.memory_space<vmem>>, vector<1x128xf32>
    %add3A_345 = vector.broadcast %get3A_344 : vector<1x128xf32> to vector<2048x128xf32>
    %add3A_346 = arith.addf %sub3A_341, %add3A_345 : vector<2048x128xf32>
    %lt3A_347 = arith.cmpf olt, %add3A_346, %select_n3A_338 : vector<2048x128xf32>
    %add3A_348 = arith.constant 2688 : i32
    %add3A_349 = vector.broadcast %add3A_348 : i32 to vector<2048x128xi32>
    %add3A_350 = arith.addi %iota3A, %add3A_349 : vector<2048x128xi32>
    %select_n3A_351 = arith.select %lt3A_347, %add3A_350, %select_n3A_337 : vector<2048x128xi1>, vector<2048x128xi32>
    %select_n3A_352 = arith.select %lt3A_347, %add3A_346, %select_n3A_338 : vector<2048x128xi1>, vector<2048x128xf32>
    %slice3A_353 = vector.extract_strided_slice %dot_general3A_264 {offsets = [0, 768], sizes = [2048, 128], strides = [1, 1]} : vector<2048x2048xf32> to vector<2048x128xf32>
    %sub3A_354 = vector.broadcast %broadcast_in_dim3A : vector<2048x1xf32> to vector<2048x128xf32>
    %sub3A_355 = arith.subf %sub3A_354, %slice3A_353 : vector<2048x128xf32>
    %get3A_356 = arith.constant 0 : index
    %get3A_357 = arith.constant 2816 : index
    %get3A_358 = vector.load %arg4[%get3A_356, %get3A_357] : memref<1x8192xf32, #tpu.memory_space<vmem>>, vector<1x128xf32>
    %add3A_359 = vector.broadcast %get3A_358 : vector<1x128xf32> to vector<2048x128xf32>
    %add3A_360 = arith.addf %sub3A_355, %add3A_359 : vector<2048x128xf32>
    %lt3A_361 = arith.cmpf olt, %add3A_360, %select_n3A_352 : vector<2048x128xf32>
    %add3A_362 = arith.constant 2816 : i32
    %add3A_363 = vector.broadcast %add3A_362 : i32 to vector<2048x128xi32>
    %add3A_364 = arith.addi %iota3A, %add3A_363 : vector<2048x128xi32>
    %select_n3A_365 = arith.select %lt3A_361, %add3A_364, %select_n3A_351 : vector<2048x128xi1>, vector<2048x128xi32>
    %select_n3A_366 = arith.select %lt3A_361, %add3A_360, %select_n3A_352 : vector<2048x128xi1>, vector<2048x128xf32>
    %slice3A_367 = vector.extract_strided_slice %dot_general3A_264 {offsets = [0, 896], sizes = [2048, 128], strides = [1, 1]} : vector<2048x2048xf32> to vector<2048x128xf32>
    %sub3A_368 = vector.broadcast %broadcast_in_dim3A : vector<2048x1xf32> to vector<2048x128xf32>
    %sub3A_369 = arith.subf %sub3A_368, %slice3A_367 : vector<2048x128xf32>
    %get3A_370 = arith.constant 0 : index
    %get3A_371 = arith.constant 2944 : index
    %get3A_372 = vector.load %arg4[%get3A_370, %get3A_371] : memref<1x8192xf32, #tpu.memory_space<vmem>>, vector<1x128xf32>
    %add3A_373 = vector.broadcast %get3A_372 : vector<1x128xf32> to vector<2048x128xf32>
    %add3A_374 = arith.addf %sub3A_369, %add3A_373 : vector<2048x128xf32>
    %lt3A_375 = arith.cmpf olt, %add3A_374, %select_n3A_366 : vector<2048x128xf32>
    %add3A_376 = arith.constant 2944 : i32
    %add3A_377 = vector.broadcast %add3A_376 : i32 to vector<2048x128xi32>
    %add3A_378 = arith.addi %iota3A, %add3A_377 : vector<2048x128xi32>
    %select_n3A_379 = arith.select %lt3A_375, %add3A_378, %select_n3A_365 : vector<2048x128xi1>, vector<2048x128xi32>
    %select_n3A_380 = arith.select %lt3A_375, %add3A_374, %select_n3A_366 : vector<2048x128xi1>, vector<2048x128xf32>
    %slice3A_381 = vector.extract_strided_slice %dot_general3A_264 {offsets = [0, 1024], sizes = [2048, 128], strides = [1, 1]} : vector<2048x2048xf32> to vector<2048x128xf32>
    %sub3A_382 = vector.broadcast %broadcast_in_dim3A : vector<2048x1xf32> to vector<2048x128xf32>
    %sub3A_383 = arith.subf %sub3A_382, %slice3A_381 : vector<2048x128xf32>
    %get3A_384 = arith.constant 0 : index
    %get3A_385 = arith.constant 3072 : index
    %get3A_386 = vector.load %arg4[%get3A_384, %get3A_385] : memref<1x8192xf32, #tpu.memory_space<vmem>>, vector<1x128xf32>
    %add3A_387 = vector.broadcast %get3A_386 : vector<1x128xf32> to vector<2048x128xf32>
    %add3A_388 = arith.addf %sub3A_383, %add3A_387 : vector<2048x128xf32>
    %lt3A_389 = arith.cmpf olt, %add3A_388, %select_n3A_380 : vector<2048x128xf32>
    %add3A_390 = arith.constant 3072 : i32
    %add3A_391 = vector.broadcast %add3A_390 : i32 to vector<2048x128xi32>
    %add3A_392 = arith.addi %iota3A, %add3A_391 : vector<2048x128xi32>
    %select_n3A_393 = arith.select %lt3A_389, %add3A_392, %select_n3A_379 : vector<2048x128xi1>, vector<2048x128xi32>
    %select_n3A_394 = arith.select %lt3A_389, %add3A_388, %select_n3A_380 : vector<2048x128xi1>, vector<2048x128xf32>
    %slice3A_395 = vector.extract_strided_slice %dot_general3A_264 {offsets = [0, 1152], sizes = [2048, 128], strides = [1, 1]} : vector<2048x2048xf32> to vector<2048x128xf32>
    %sub3A_396 = vector.broadcast %broadcast_in_dim3A : vector<2048x1xf32> to vector<2048x128xf32>
    %sub3A_397 = arith.subf %sub3A_396, %slice3A_395 : vector<2048x128xf32>
    %get3A_398 = arith.constant 0 : index
    %get3A_399 = arith.constant 3200 : index
    %get3A_400 = vector.load %arg4[%get3A_398, %get3A_399] : memref<1x8192xf32, #tpu.memory_space<vmem>>, vector<1x128xf32>
    %add3A_401 = vector.broadcast %get3A_400 : vector<1x128xf32> to vector<2048x128xf32>
    %add3A_402 = arith.addf %sub3A_397, %add3A_401 : vector<2048x128xf32>
    %lt3A_403 = arith.cmpf olt, %add3A_402, %select_n3A_394 : vector<2048x128xf32>
    %add3A_404 = arith.constant 3200 : i32
    %add3A_405 = vector.broadcast %add3A_404 : i32 to vector<2048x128xi32>
    %add3A_406 = arith.addi %iota3A, %add3A_405 : vector<2048x128xi32>
    %select_n3A_407 = arith.select %lt3A_403, %add3A_406, %select_n3A_393 : vector<2048x128xi1>, vector<2048x128xi32>
    %select_n3A_408 = arith.select %lt3A_403, %add3A_402, %select_n3A_394 : vector<2048x128xi1>, vector<2048x128xf32>
    %slice3A_409 = vector.extract_strided_slice %dot_general3A_264 {offsets = [0, 1280], sizes = [2048, 128], strides = [1, 1]} : vector<2048x2048xf32> to vector<2048x128xf32>
    %sub3A_410 = vector.broadcast %broadcast_in_dim3A : vector<2048x1xf32> to vector<2048x128xf32>
    %sub3A_411 = arith.subf %sub3A_410, %slice3A_409 : vector<2048x128xf32>
    %get3A_412 = arith.constant 0 : index
    %get3A_413 = arith.constant 3328 : index
    %get3A_414 = vector.load %arg4[%get3A_412, %get3A_413] : memref<1x8192xf32, #tpu.memory_space<vmem>>, vector<1x128xf32>
    %add3A_415 = vector.broadcast %get3A_414 : vector<1x128xf32> to vector<2048x128xf32>
    %add3A_416 = arith.addf %sub3A_411, %add3A_415 : vector<2048x128xf32>
    %lt3A_417 = arith.cmpf olt, %add3A_416, %select_n3A_408 : vector<2048x128xf32>
    %add3A_418 = arith.constant 3328 : i32
    %add3A_419 = vector.broadcast %add3A_418 : i32 to vector<2048x128xi32>
    %add3A_420 = arith.addi %iota3A, %add3A_419 : vector<2048x128xi32>
    %select_n3A_421 = arith.select %lt3A_417, %add3A_420, %select_n3A_407 : vector<2048x128xi1>, vector<2048x128xi32>
    %select_n3A_422 = arith.select %lt3A_417, %add3A_416, %select_n3A_408 : vector<2048x128xi1>, vector<2048x128xf32>
    %slice3A_423 = vector.extract_strided_slice %dot_general3A_264 {offsets = [0, 1408], sizes = [2048, 128], strides = [1, 1]} : vector<2048x2048xf32> to vector<2048x128xf32>
    %sub3A_424 = vector.broadcast %broadcast_in_dim3A : vector<2048x1xf32> to vector<2048x128xf32>
    %sub3A_425 = arith.subf %sub3A_424, %slice3A_423 : vector<2048x128xf32>
    %get3A_426 = arith.constant 0 : index
    %get3A_427 = arith.constant 3456 : index
    %get3A_428 = vector.load %arg4[%get3A_426, %get3A_427] : memref<1x8192xf32, #tpu.memory_space<vmem>>, vector<1x128xf32>
    %add3A_429 = vector.broadcast %get3A_428 : vector<1x128xf32> to vector<2048x128xf32>
    %add3A_430 = arith.addf %sub3A_425, %add3A_429 : vector<2048x128xf32>
    %lt3A_431 = arith.cmpf olt, %add3A_430, %select_n3A_422 : vector<2048x128xf32>
    %add3A_432 = arith.constant 3456 : i32
    %add3A_433 = vector.broadcast %add3A_432 : i32 to vector<2048x128xi32>
    %add3A_434 = arith.addi %iota3A, %add3A_433 : vector<2048x128xi32>
    %select_n3A_435 = arith.select %lt3A_431, %add3A_434, %select_n3A_421 : vector<2048x128xi1>, vector<2048x128xi32>
    %select_n3A_436 = arith.select %lt3A_431, %add3A_430, %select_n3A_422 : vector<2048x128xi1>, vector<2048x128xf32>
    %slice3A_437 = vector.extract_strided_slice %dot_general3A_264 {offsets = [0, 1536], sizes = [2048, 128], strides = [1, 1]} : vector<2048x2048xf32> to vector<2048x128xf32>
    %sub3A_438 = vector.broadcast %broadcast_in_dim3A : vector<2048x1xf32> to vector<2048x128xf32>
    %sub3A_439 = arith.subf %sub3A_438, %slice3A_437 : vector<2048x128xf32>
    %get3A_440 = arith.constant 0 : index
    %get3A_441 = arith.constant 3584 : index
    %get3A_442 = vector.load %arg4[%get3A_440, %get3A_441] : memref<1x8192xf32, #tpu.memory_space<vmem>>, vector<1x128xf32>
    %add3A_443 = vector.broadcast %get3A_442 : vector<1x128xf32> to vector<2048x128xf32>
    %add3A_444 = arith.addf %sub3A_439, %add3A_443 : vector<2048x128xf32>
    %lt3A_445 = arith.cmpf olt, %add3A_444, %select_n3A_436 : vector<2048x128xf32>
    %add3A_446 = arith.constant 3584 : i32
    %add3A_447 = vector.broadcast %add3A_446 : i32 to vector<2048x128xi32>
    %add3A_448 = arith.addi %iota3A, %add3A_447 : vector<2048x128xi32>
    %select_n3A_449 = arith.select %lt3A_445, %add3A_448, %select_n3A_435 : vector<2048x128xi1>, vector<2048x128xi32>
    %select_n3A_450 = arith.select %lt3A_445, %add3A_444, %select_n3A_436 : vector<2048x128xi1>, vector<2048x128xf32>
    %slice3A_451 = vector.extract_strided_slice %dot_general3A_264 {offsets = [0, 1664], sizes = [2048, 128], strides = [1, 1]} : vector<2048x2048xf32> to vector<2048x128xf32>
    %sub3A_452 = vector.broadcast %broadcast_in_dim3A : vector<2048x1xf32> to vector<2048x128xf32>
    %sub3A_453 = arith.subf %sub3A_452, %slice3A_451 : vector<2048x128xf32>
    %get3A_454 = arith.constant 0 : index
    %get3A_455 = arith.constant 3712 : index
    %get3A_456 = vector.load %arg4[%get3A_454, %get3A_455] : memref<1x8192xf32, #tpu.memory_space<vmem>>, vector<1x128xf32>
    %add3A_457 = vector.broadcast %get3A_456 : vector<1x128xf32> to vector<2048x128xf32>
    %add3A_458 = arith.addf %sub3A_453, %add3A_457 : vector<2048x128xf32>
    %lt3A_459 = arith.cmpf olt, %add3A_458, %select_n3A_450 : vector<2048x128xf32>
    %add3A_460 = arith.constant 3712 : i32
    %add3A_461 = vector.broadcast %add3A_460 : i32 to vector<2048x128xi32>
    %add3A_462 = arith.addi %iota3A, %add3A_461 : vector<2048x128xi32>
    %select_n3A_463 = arith.select %lt3A_459, %add3A_462, %select_n3A_449 : vector<2048x128xi1>, vector<2048x128xi32>
    %select_n3A_464 = arith.select %lt3A_459, %add3A_458, %select_n3A_450 : vector<2048x128xi1>, vector<2048x128xf32>
    %slice3A_465 = vector.extract_strided_slice %dot_general3A_264 {offsets = [0, 1792], sizes = [2048, 128], strides = [1, 1]} : vector<2048x2048xf32> to vector<2048x128xf32>
    %sub3A_466 = vector.broadcast %broadcast_in_dim3A : vector<2048x1xf32> to vector<2048x128xf32>
    %sub3A_467 = arith.subf %sub3A_466, %slice3A_465 : vector<2048x128xf32>
    %get3A_468 = arith.constant 0 : index
    %get3A_469 = arith.constant 3840 : index
    %get3A_470 = vector.load %arg4[%get3A_468, %get3A_469] : memref<1x8192xf32, #tpu.memory_space<vmem>>, vector<1x128xf32>
    %add3A_471 = vector.broadcast %get3A_470 : vector<1x128xf32> to vector<2048x128xf32>
    %add3A_472 = arith.addf %sub3A_467, %add3A_471 : vector<2048x128xf32>
    %lt3A_473 = arith.cmpf olt, %add3A_472, %select_n3A_464 : vector<2048x128xf32>
    %add3A_474 = arith.constant 3840 : i32
    %add3A_475 = vector.broadcast %add3A_474 : i32 to vector<2048x128xi32>
    %add3A_476 = arith.addi %iota3A, %add3A_475 : vector<2048x128xi32>
    %select_n3A_477 = arith.select %lt3A_473, %add3A_476, %select_n3A_463 : vector<2048x128xi1>, vector<2048x128xi32>
    %select_n3A_478 = arith.select %lt3A_473, %add3A_472, %select_n3A_464 : vector<2048x128xi1>, vector<2048x128xf32>
    %slice3A_479 = vector.extract_strided_slice %dot_general3A_264 {offsets = [0, 1920], sizes = [2048, 128], strides = [1, 1]} : vector<2048x2048xf32> to vector<2048x128xf32>
    %sub3A_480 = vector.broadcast %broadcast_in_dim3A : vector<2048x1xf32> to vector<2048x128xf32>
    %sub3A_481 = arith.subf %sub3A_480, %slice3A_479 : vector<2048x128xf32>
    %get3A_482 = arith.constant 0 : index
    %get3A_483 = arith.constant 3968 : index
    %get3A_484 = vector.load %arg4[%get3A_482, %get3A_483] : memref<1x8192xf32, #tpu.memory_space<vmem>>, vector<1x128xf32>
    %add3A_485 = vector.broadcast %get3A_484 : vector<1x128xf32> to vector<2048x128xf32>
    %add3A_486 = arith.addf %sub3A_481, %add3A_485 : vector<2048x128xf32>
    %lt3A_487 = arith.cmpf olt, %add3A_486, %select_n3A_478 : vector<2048x128xf32>
    %add3A_488 = arith.constant 3968 : i32
    %add3A_489 = vector.broadcast %add3A_488 : i32 to vector<2048x128xi32>
    %add3A_490 = arith.addi %iota3A, %add3A_489 : vector<2048x128xi32>
    %select_n3A_491 = arith.select %lt3A_487, %add3A_490, %select_n3A_477 : vector<2048x128xi1>, vector<2048x128xi32>
    %select_n3A_492 = arith.select %lt3A_487, %add3A_486, %select_n3A_478 : vector<2048x128xi1>, vector<2048x128xf32>
    %reduce_min3A_493 = arith.constant dense<0x7F800000> : vector<2048xf32>
    %reduce_min3A_494 = vector.multi_reduction <minimumf>, %select_n3A_492, %reduce_min3A_493 [1] : vector<2048x128xf32> to vector<2048xf32>
    %broadcast_in_dim3A_495 = vector.shape_cast %reduce_min3A_494 : vector<2048xf32> to vector<2048x1xf32>
    %eq3A_496 = vector.broadcast %broadcast_in_dim3A_495 : vector<2048x1xf32> to vector<2048x128xf32>
    %eq3A_497 = arith.cmpf oeq, %select_n3A_492, %eq3A_496 : vector<2048x128xf32>
    %jit3A_498 = arith.constant 2147483647 : i32
    %broadcast_in_dim3A_499 = vector.broadcast %jit3A_498 : i32 to vector<2048x128xi32>
    %select_n3A_500 = arith.select %eq3A_497, %select_n3A_491, %broadcast_in_dim3A_499 : vector<2048x128xi1>, vector<2048x128xi32>
    %reduce_min3A_501 = arith.constant dense<2147483647> : vector<2048xi32>
    %reduce_min3A_502 = vector.multi_reduction <minsi>, %select_n3A_500, %reduce_min3A_501 [1] : vector<2048x128xi32> to vector<2048xi32>
    %lt3A_503 = arith.cmpf olt, %reduce_min3A_494, %convert_element_type3A_258 : vector<2048xf32>
    %select_n3A_504 = arith.select %lt3A_503, %reduce_min3A_502, %select_n3A_255 : vector<2048xi1>, vector<2048xi32>
    %select_n3A_505 = arith.select %lt3A_503, %reduce_min3A_494, %convert_element_type3A_258 : vector<2048xi1>, vector<2048xf32>
    %convert_element_type3A_506 = arith.truncf %select_n3A_505 : vector<2048xf32> to vector<2048xbf16>
    %convert_element_type3A_507 = arith.extf %convert_element_type3A_506 : vector<2048xbf16> to vector<2048xf32>
    %get3A_508 = arith.constant 4096 : index
    %get3A_509 = arith.constant 0 : index
    %get3A_510 = vector.load %arg3[%get3A_508, %get3A_509] : memref<8192x32xf32, #tpu.memory_space<vmem>>, vector<2048x32xf32>
    %convert_element_type3A_511 = arith.truncf %get3A_510 : vector<2048x32xf32> to vector<2048x32xbf16>
    %dot_general3A_512 = arith.constant dense<0.000000e+00> : vector<2048x2048xf32>
    %dot_general3A_513 = tpu.matmul %convert_element_type3A_11, %convert_element_type3A_511, %dot_general3A_512 {dimension_numbers = #tpu.dot_dimension_numbers<[1], [1], [0], [0], [0, 0, 1, 0], [], []>, transpose_lhs_hint = false} : vector<2048x32xbf16>, vector<2048x32xbf16>, vector<2048x2048xf32> -> vector<2048x2048xf32>
    %broadcast_in_dim3A_514 = arith.constant 0x7F800000 : f32
    %broadcast_in_dim3A_515 = vector.broadcast %broadcast_in_dim3A_514 : f32 to vector<2048x128xf32>
    %broadcast_in_dim3A_516 = arith.constant 0 : i32
    %broadcast_in_dim3A_517 = vector.broadcast %broadcast_in_dim3A_516 : i32 to vector<2048x128xi32>
    %slice3A_518 = vector.extract_strided_slice %dot_general3A_513 {offsets = [0, 0], sizes = [2048, 128], strides = [1, 1]} : vector<2048x2048xf32> to vector<2048x128xf32>
    %sub3A_519 = vector.broadcast %broadcast_in_dim3A : vector<2048x1xf32> to vector<2048x128xf32>
    %sub3A_520 = arith.subf %sub3A_519, %slice3A_518 : vector<2048x128xf32>
    %get3A_521 = arith.constant 0 : index
    %get3A_522 = arith.constant 4096 : index
    %get3A_523 = vector.load %arg4[%get3A_521, %get3A_522] : memref<1x8192xf32, #tpu.memory_space<vmem>>, vector<1x128xf32>
    %add3A_524 = vector.broadcast %get3A_523 : vector<1x128xf32> to vector<2048x128xf32>
    %add3A_525 = arith.addf %sub3A_520, %add3A_524 : vector<2048x128xf32>
    %lt3A_526 = arith.cmpf olt, %add3A_525, %broadcast_in_dim3A_515 : vector<2048x128xf32>
    %add3A_527 = arith.constant 4096 : i32
    %add3A_528 = vector.broadcast %add3A_527 : i32 to vector<2048x128xi32>
    %add3A_529 = arith.addi %iota3A, %add3A_528 : vector<2048x128xi32>
    %select_n3A_530 = arith.select %lt3A_526, %add3A_529, %broadcast_in_dim3A_517 : vector<2048x128xi1>, vector<2048x128xi32>
    %select_n3A_531 = arith.select %lt3A_526, %add3A_525, %broadcast_in_dim3A_515 : vector<2048x128xi1>, vector<2048x128xf32>
    %slice3A_532 = vector.extract_strided_slice %dot_general3A_513 {offsets = [0, 128], sizes = [2048, 128], strides = [1, 1]} : vector<2048x2048xf32> to vector<2048x128xf32>
    %sub3A_533 = vector.broadcast %broadcast_in_dim3A : vector<2048x1xf32> to vector<2048x128xf32>
    %sub3A_534 = arith.subf %sub3A_533, %slice3A_532 : vector<2048x128xf32>
    %get3A_535 = arith.constant 0 : index
    %get3A_536 = arith.constant 4224 : index
    %get3A_537 = vector.load %arg4[%get3A_535, %get3A_536] : memref<1x8192xf32, #tpu.memory_space<vmem>>, vector<1x128xf32>
    %add3A_538 = vector.broadcast %get3A_537 : vector<1x128xf32> to vector<2048x128xf32>
    %add3A_539 = arith.addf %sub3A_534, %add3A_538 : vector<2048x128xf32>
    %lt3A_540 = arith.cmpf olt, %add3A_539, %select_n3A_531 : vector<2048x128xf32>
    %add3A_541 = arith.constant 4224 : i32
    %add3A_542 = vector.broadcast %add3A_541 : i32 to vector<2048x128xi32>
    %add3A_543 = arith.addi %iota3A, %add3A_542 : vector<2048x128xi32>
    %select_n3A_544 = arith.select %lt3A_540, %add3A_543, %select_n3A_530 : vector<2048x128xi1>, vector<2048x128xi32>
    %select_n3A_545 = arith.select %lt3A_540, %add3A_539, %select_n3A_531 : vector<2048x128xi1>, vector<2048x128xf32>
    %slice3A_546 = vector.extract_strided_slice %dot_general3A_513 {offsets = [0, 256], sizes = [2048, 128], strides = [1, 1]} : vector<2048x2048xf32> to vector<2048x128xf32>
    %sub3A_547 = vector.broadcast %broadcast_in_dim3A : vector<2048x1xf32> to vector<2048x128xf32>
    %sub3A_548 = arith.subf %sub3A_547, %slice3A_546 : vector<2048x128xf32>
    %get3A_549 = arith.constant 0 : index
    %get3A_550 = arith.constant 4352 : index
    %get3A_551 = vector.load %arg4[%get3A_549, %get3A_550] : memref<1x8192xf32, #tpu.memory_space<vmem>>, vector<1x128xf32>
    %add3A_552 = vector.broadcast %get3A_551 : vector<1x128xf32> to vector<2048x128xf32>
    %add3A_553 = arith.addf %sub3A_548, %add3A_552 : vector<2048x128xf32>
    %lt3A_554 = arith.cmpf olt, %add3A_553, %select_n3A_545 : vector<2048x128xf32>
    %add3A_555 = arith.constant 4352 : i32
    %add3A_556 = vector.broadcast %add3A_555 : i32 to vector<2048x128xi32>
    %add3A_557 = arith.addi %iota3A, %add3A_556 : vector<2048x128xi32>
    %select_n3A_558 = arith.select %lt3A_554, %add3A_557, %select_n3A_544 : vector<2048x128xi1>, vector<2048x128xi32>
    %select_n3A_559 = arith.select %lt3A_554, %add3A_553, %select_n3A_545 : vector<2048x128xi1>, vector<2048x128xf32>
    %slice3A_560 = vector.extract_strided_slice %dot_general3A_513 {offsets = [0, 384], sizes = [2048, 128], strides = [1, 1]} : vector<2048x2048xf32> to vector<2048x128xf32>
    %sub3A_561 = vector.broadcast %broadcast_in_dim3A : vector<2048x1xf32> to vector<2048x128xf32>
    %sub3A_562 = arith.subf %sub3A_561, %slice3A_560 : vector<2048x128xf32>
    %get3A_563 = arith.constant 0 : index
    %get3A_564 = arith.constant 4480 : index
    %get3A_565 = vector.load %arg4[%get3A_563, %get3A_564] : memref<1x8192xf32, #tpu.memory_space<vmem>>, vector<1x128xf32>
    %add3A_566 = vector.broadcast %get3A_565 : vector<1x128xf32> to vector<2048x128xf32>
    %add3A_567 = arith.addf %sub3A_562, %add3A_566 : vector<2048x128xf32>
    %lt3A_568 = arith.cmpf olt, %add3A_567, %select_n3A_559 : vector<2048x128xf32>
    %add3A_569 = arith.constant 4480 : i32
    %add3A_570 = vector.broadcast %add3A_569 : i32 to vector<2048x128xi32>
    %add3A_571 = arith.addi %iota3A, %add3A_570 : vector<2048x128xi32>
    %select_n3A_572 = arith.select %lt3A_568, %add3A_571, %select_n3A_558 : vector<2048x128xi1>, vector<2048x128xi32>
    %select_n3A_573 = arith.select %lt3A_568, %add3A_567, %select_n3A_559 : vector<2048x128xi1>, vector<2048x128xf32>
    %slice3A_574 = vector.extract_strided_slice %dot_general3A_513 {offsets = [0, 512], sizes = [2048, 128], strides = [1, 1]} : vector<2048x2048xf32> to vector<2048x128xf32>
    %sub3A_575 = vector.broadcast %broadcast_in_dim3A : vector<2048x1xf32> to vector<2048x128xf32>
    %sub3A_576 = arith.subf %sub3A_575, %slice3A_574 : vector<2048x128xf32>
    %get3A_577 = arith.constant 0 : index
    %get3A_578 = arith.constant 4608 : index
    %get3A_579 = vector.load %arg4[%get3A_577, %get3A_578] : memref<1x8192xf32, #tpu.memory_space<vmem>>, vector<1x128xf32>
    %add3A_580 = vector.broadcast %get3A_579 : vector<1x128xf32> to vector<2048x128xf32>
    %add3A_581 = arith.addf %sub3A_576, %add3A_580 : vector<2048x128xf32>
    %lt3A_582 = arith.cmpf olt, %add3A_581, %select_n3A_573 : vector<2048x128xf32>
    %add3A_583 = arith.constant 4608 : i32
    %add3A_584 = vector.broadcast %add3A_583 : i32 to vector<2048x128xi32>
    %add3A_585 = arith.addi %iota3A, %add3A_584 : vector<2048x128xi32>
    %select_n3A_586 = arith.select %lt3A_582, %add3A_585, %select_n3A_572 : vector<2048x128xi1>, vector<2048x128xi32>
    %select_n3A_587 = arith.select %lt3A_582, %add3A_581, %select_n3A_573 : vector<2048x128xi1>, vector<2048x128xf32>
    %slice3A_588 = vector.extract_strided_slice %dot_general3A_513 {offsets = [0, 640], sizes = [2048, 128], strides = [1, 1]} : vector<2048x2048xf32> to vector<2048x128xf32>
    %sub3A_589 = vector.broadcast %broadcast_in_dim3A : vector<2048x1xf32> to vector<2048x128xf32>
    %sub3A_590 = arith.subf %sub3A_589, %slice3A_588 : vector<2048x128xf32>
    %get3A_591 = arith.constant 0 : index
    %get3A_592 = arith.constant 4736 : index
    %get3A_593 = vector.load %arg4[%get3A_591, %get3A_592] : memref<1x8192xf32, #tpu.memory_space<vmem>>, vector<1x128xf32>
    %add3A_594 = vector.broadcast %get3A_593 : vector<1x128xf32> to vector<2048x128xf32>
    %add3A_595 = arith.addf %sub3A_590, %add3A_594 : vector<2048x128xf32>
    %lt3A_596 = arith.cmpf olt, %add3A_595, %select_n3A_587 : vector<2048x128xf32>
    %add3A_597 = arith.constant 4736 : i32
    %add3A_598 = vector.broadcast %add3A_597 : i32 to vector<2048x128xi32>
    %add3A_599 = arith.addi %iota3A, %add3A_598 : vector<2048x128xi32>
    %select_n3A_600 = arith.select %lt3A_596, %add3A_599, %select_n3A_586 : vector<2048x128xi1>, vector<2048x128xi32>
    %select_n3A_601 = arith.select %lt3A_596, %add3A_595, %select_n3A_587 : vector<2048x128xi1>, vector<2048x128xf32>
    %slice3A_602 = vector.extract_strided_slice %dot_general3A_513 {offsets = [0, 768], sizes = [2048, 128], strides = [1, 1]} : vector<2048x2048xf32> to vector<2048x128xf32>
    %sub3A_603 = vector.broadcast %broadcast_in_dim3A : vector<2048x1xf32> to vector<2048x128xf32>
    %sub3A_604 = arith.subf %sub3A_603, %slice3A_602 : vector<2048x128xf32>
    %get3A_605 = arith.constant 0 : index
    %get3A_606 = arith.constant 4864 : index
    %get3A_607 = vector.load %arg4[%get3A_605, %get3A_606] : memref<1x8192xf32, #tpu.memory_space<vmem>>, vector<1x128xf32>
    %add3A_608 = vector.broadcast %get3A_607 : vector<1x128xf32> to vector<2048x128xf32>
    %add3A_609 = arith.addf %sub3A_604, %add3A_608 : vector<2048x128xf32>
    %lt3A_610 = arith.cmpf olt, %add3A_609, %select_n3A_601 : vector<2048x128xf32>
    %add3A_611 = arith.constant 4864 : i32
    %add3A_612 = vector.broadcast %add3A_611 : i32 to vector<2048x128xi32>
    %add3A_613 = arith.addi %iota3A, %add3A_612 : vector<2048x128xi32>
    %select_n3A_614 = arith.select %lt3A_610, %add3A_613, %select_n3A_600 : vector<2048x128xi1>, vector<2048x128xi32>
    %select_n3A_615 = arith.select %lt3A_610, %add3A_609, %select_n3A_601 : vector<2048x128xi1>, vector<2048x128xf32>
    %slice3A_616 = vector.extract_strided_slice %dot_general3A_513 {offsets = [0, 896], sizes = [2048, 128], strides = [1, 1]} : vector<2048x2048xf32> to vector<2048x128xf32>
    %sub3A_617 = vector.broadcast %broadcast_in_dim3A : vector<2048x1xf32> to vector<2048x128xf32>
    %sub3A_618 = arith.subf %sub3A_617, %slice3A_616 : vector<2048x128xf32>
    %get3A_619 = arith.constant 0 : index
    %get3A_620 = arith.constant 4992 : index
    %get3A_621 = vector.load %arg4[%get3A_619, %get3A_620] : memref<1x8192xf32, #tpu.memory_space<vmem>>, vector<1x128xf32>
    %add3A_622 = vector.broadcast %get3A_621 : vector<1x128xf32> to vector<2048x128xf32>
    %add3A_623 = arith.addf %sub3A_618, %add3A_622 : vector<2048x128xf32>
    %lt3A_624 = arith.cmpf olt, %add3A_623, %select_n3A_615 : vector<2048x128xf32>
    %add3A_625 = arith.constant 4992 : i32
    %add3A_626 = vector.broadcast %add3A_625 : i32 to vector<2048x128xi32>
    %add3A_627 = arith.addi %iota3A, %add3A_626 : vector<2048x128xi32>
    %select_n3A_628 = arith.select %lt3A_624, %add3A_627, %select_n3A_614 : vector<2048x128xi1>, vector<2048x128xi32>
    %select_n3A_629 = arith.select %lt3A_624, %add3A_623, %select_n3A_615 : vector<2048x128xi1>, vector<2048x128xf32>
    %slice3A_630 = vector.extract_strided_slice %dot_general3A_513 {offsets = [0, 1024], sizes = [2048, 128], strides = [1, 1]} : vector<2048x2048xf32> to vector<2048x128xf32>
    %sub3A_631 = vector.broadcast %broadcast_in_dim3A : vector<2048x1xf32> to vector<2048x128xf32>
    %sub3A_632 = arith.subf %sub3A_631, %slice3A_630 : vector<2048x128xf32>
    %get3A_633 = arith.constant 0 : index
    %get3A_634 = arith.constant 5120 : index
    %get3A_635 = vector.load %arg4[%get3A_633, %get3A_634] : memref<1x8192xf32, #tpu.memory_space<vmem>>, vector<1x128xf32>
    %add3A_636 = vector.broadcast %get3A_635 : vector<1x128xf32> to vector<2048x128xf32>
    %add3A_637 = arith.addf %sub3A_632, %add3A_636 : vector<2048x128xf32>
    %lt3A_638 = arith.cmpf olt, %add3A_637, %select_n3A_629 : vector<2048x128xf32>
    %add3A_639 = arith.constant 5120 : i32
    %add3A_640 = vector.broadcast %add3A_639 : i32 to vector<2048x128xi32>
    %add3A_641 = arith.addi %iota3A, %add3A_640 : vector<2048x128xi32>
    %select_n3A_642 = arith.select %lt3A_638, %add3A_641, %select_n3A_628 : vector<2048x128xi1>, vector<2048x128xi32>
    %select_n3A_643 = arith.select %lt3A_638, %add3A_637, %select_n3A_629 : vector<2048x128xi1>, vector<2048x128xf32>
    %slice3A_644 = vector.extract_strided_slice %dot_general3A_513 {offsets = [0, 1152], sizes = [2048, 128], strides = [1, 1]} : vector<2048x2048xf32> to vector<2048x128xf32>
    %sub3A_645 = vector.broadcast %broadcast_in_dim3A : vector<2048x1xf32> to vector<2048x128xf32>
    %sub3A_646 = arith.subf %sub3A_645, %slice3A_644 : vector<2048x128xf32>
    %get3A_647 = arith.constant 0 : index
    %get3A_648 = arith.constant 5248 : index
    %get3A_649 = vector.load %arg4[%get3A_647, %get3A_648] : memref<1x8192xf32, #tpu.memory_space<vmem>>, vector<1x128xf32>
    %add3A_650 = vector.broadcast %get3A_649 : vector<1x128xf32> to vector<2048x128xf32>
    %add3A_651 = arith.addf %sub3A_646, %add3A_650 : vector<2048x128xf32>
    %lt3A_652 = arith.cmpf olt, %add3A_651, %select_n3A_643 : vector<2048x128xf32>
    %add3A_653 = arith.constant 5248 : i32
    %add3A_654 = vector.broadcast %add3A_653 : i32 to vector<2048x128xi32>
    %add3A_655 = arith.addi %iota3A, %add3A_654 : vector<2048x128xi32>
    %select_n3A_656 = arith.select %lt3A_652, %add3A_655, %select_n3A_642 : vector<2048x128xi1>, vector<2048x128xi32>
    %select_n3A_657 = arith.select %lt3A_652, %add3A_651, %select_n3A_643 : vector<2048x128xi1>, vector<2048x128xf32>
    %slice3A_658 = vector.extract_strided_slice %dot_general3A_513 {offsets = [0, 1280], sizes = [2048, 128], strides = [1, 1]} : vector<2048x2048xf32> to vector<2048x128xf32>
    %sub3A_659 = vector.broadcast %broadcast_in_dim3A : vector<2048x1xf32> to vector<2048x128xf32>
    %sub3A_660 = arith.subf %sub3A_659, %slice3A_658 : vector<2048x128xf32>
    %get3A_661 = arith.constant 0 : index
    %get3A_662 = arith.constant 5376 : index
    %get3A_663 = vector.load %arg4[%get3A_661, %get3A_662] : memref<1x8192xf32, #tpu.memory_space<vmem>>, vector<1x128xf32>
    %add3A_664 = vector.broadcast %get3A_663 : vector<1x128xf32> to vector<2048x128xf32>
    %add3A_665 = arith.addf %sub3A_660, %add3A_664 : vector<2048x128xf32>
    %lt3A_666 = arith.cmpf olt, %add3A_665, %select_n3A_657 : vector<2048x128xf32>
    %add3A_667 = arith.constant 5376 : i32
    %add3A_668 = vector.broadcast %add3A_667 : i32 to vector<2048x128xi32>
    %add3A_669 = arith.addi %iota3A, %add3A_668 : vector<2048x128xi32>
    %select_n3A_670 = arith.select %lt3A_666, %add3A_669, %select_n3A_656 : vector<2048x128xi1>, vector<2048x128xi32>
    %select_n3A_671 = arith.select %lt3A_666, %add3A_665, %select_n3A_657 : vector<2048x128xi1>, vector<2048x128xf32>
    %slice3A_672 = vector.extract_strided_slice %dot_general3A_513 {offsets = [0, 1408], sizes = [2048, 128], strides = [1, 1]} : vector<2048x2048xf32> to vector<2048x128xf32>
    %sub3A_673 = vector.broadcast %broadcast_in_dim3A : vector<2048x1xf32> to vector<2048x128xf32>
    %sub3A_674 = arith.subf %sub3A_673, %slice3A_672 : vector<2048x128xf32>
    %get3A_675 = arith.constant 0 : index
    %get3A_676 = arith.constant 5504 : index
    %get3A_677 = vector.load %arg4[%get3A_675, %get3A_676] : memref<1x8192xf32, #tpu.memory_space<vmem>>, vector<1x128xf32>
    %add3A_678 = vector.broadcast %get3A_677 : vector<1x128xf32> to vector<2048x128xf32>
    %add3A_679 = arith.addf %sub3A_674, %add3A_678 : vector<2048x128xf32>
    %lt3A_680 = arith.cmpf olt, %add3A_679, %select_n3A_671 : vector<2048x128xf32>
    %add3A_681 = arith.constant 5504 : i32
    %add3A_682 = vector.broadcast %add3A_681 : i32 to vector<2048x128xi32>
    %add3A_683 = arith.addi %iota3A, %add3A_682 : vector<2048x128xi32>
    %select_n3A_684 = arith.select %lt3A_680, %add3A_683, %select_n3A_670 : vector<2048x128xi1>, vector<2048x128xi32>
    %select_n3A_685 = arith.select %lt3A_680, %add3A_679, %select_n3A_671 : vector<2048x128xi1>, vector<2048x128xf32>
    %slice3A_686 = vector.extract_strided_slice %dot_general3A_513 {offsets = [0, 1536], sizes = [2048, 128], strides = [1, 1]} : vector<2048x2048xf32> to vector<2048x128xf32>
    %sub3A_687 = vector.broadcast %broadcast_in_dim3A : vector<2048x1xf32> to vector<2048x128xf32>
    %sub3A_688 = arith.subf %sub3A_687, %slice3A_686 : vector<2048x128xf32>
    %get3A_689 = arith.constant 0 : index
    %get3A_690 = arith.constant 5632 : index
    %get3A_691 = vector.load %arg4[%get3A_689, %get3A_690] : memref<1x8192xf32, #tpu.memory_space<vmem>>, vector<1x128xf32>
    %add3A_692 = vector.broadcast %get3A_691 : vector<1x128xf32> to vector<2048x128xf32>
    %add3A_693 = arith.addf %sub3A_688, %add3A_692 : vector<2048x128xf32>
    %lt3A_694 = arith.cmpf olt, %add3A_693, %select_n3A_685 : vector<2048x128xf32>
    %add3A_695 = arith.constant 5632 : i32
    %add3A_696 = vector.broadcast %add3A_695 : i32 to vector<2048x128xi32>
    %add3A_697 = arith.addi %iota3A, %add3A_696 : vector<2048x128xi32>
    %select_n3A_698 = arith.select %lt3A_694, %add3A_697, %select_n3A_684 : vector<2048x128xi1>, vector<2048x128xi32>
    %select_n3A_699 = arith.select %lt3A_694, %add3A_693, %select_n3A_685 : vector<2048x128xi1>, vector<2048x128xf32>
    %slice3A_700 = vector.extract_strided_slice %dot_general3A_513 {offsets = [0, 1664], sizes = [2048, 128], strides = [1, 1]} : vector<2048x2048xf32> to vector<2048x128xf32>
    %sub3A_701 = vector.broadcast %broadcast_in_dim3A : vector<2048x1xf32> to vector<2048x128xf32>
    %sub3A_702 = arith.subf %sub3A_701, %slice3A_700 : vector<2048x128xf32>
    %get3A_703 = arith.constant 0 : index
    %get3A_704 = arith.constant 5760 : index
    %get3A_705 = vector.load %arg4[%get3A_703, %get3A_704] : memref<1x8192xf32, #tpu.memory_space<vmem>>, vector<1x128xf32>
    %add3A_706 = vector.broadcast %get3A_705 : vector<1x128xf32> to vector<2048x128xf32>
    %add3A_707 = arith.addf %sub3A_702, %add3A_706 : vector<2048x128xf32>
    %lt3A_708 = arith.cmpf olt, %add3A_707, %select_n3A_699 : vector<2048x128xf32>
    %add3A_709 = arith.constant 5760 : i32
    %add3A_710 = vector.broadcast %add3A_709 : i32 to vector<2048x128xi32>
    %add3A_711 = arith.addi %iota3A, %add3A_710 : vector<2048x128xi32>
    %select_n3A_712 = arith.select %lt3A_708, %add3A_711, %select_n3A_698 : vector<2048x128xi1>, vector<2048x128xi32>
    %select_n3A_713 = arith.select %lt3A_708, %add3A_707, %select_n3A_699 : vector<2048x128xi1>, vector<2048x128xf32>
    %slice3A_714 = vector.extract_strided_slice %dot_general3A_513 {offsets = [0, 1792], sizes = [2048, 128], strides = [1, 1]} : vector<2048x2048xf32> to vector<2048x128xf32>
    %sub3A_715 = vector.broadcast %broadcast_in_dim3A : vector<2048x1xf32> to vector<2048x128xf32>
    %sub3A_716 = arith.subf %sub3A_715, %slice3A_714 : vector<2048x128xf32>
    %get3A_717 = arith.constant 0 : index
    %get3A_718 = arith.constant 5888 : index
    %get3A_719 = vector.load %arg4[%get3A_717, %get3A_718] : memref<1x8192xf32, #tpu.memory_space<vmem>>, vector<1x128xf32>
    %add3A_720 = vector.broadcast %get3A_719 : vector<1x128xf32> to vector<2048x128xf32>
    %add3A_721 = arith.addf %sub3A_716, %add3A_720 : vector<2048x128xf32>
    %lt3A_722 = arith.cmpf olt, %add3A_721, %select_n3A_713 : vector<2048x128xf32>
    %add3A_723 = arith.constant 5888 : i32
    %add3A_724 = vector.broadcast %add3A_723 : i32 to vector<2048x128xi32>
    %add3A_725 = arith.addi %iota3A, %add3A_724 : vector<2048x128xi32>
    %select_n3A_726 = arith.select %lt3A_722, %add3A_725, %select_n3A_712 : vector<2048x128xi1>, vector<2048x128xi32>
    %select_n3A_727 = arith.select %lt3A_722, %add3A_721, %select_n3A_713 : vector<2048x128xi1>, vector<2048x128xf32>
    %slice3A_728 = vector.extract_strided_slice %dot_general3A_513 {offsets = [0, 1920], sizes = [2048, 128], strides = [1, 1]} : vector<2048x2048xf32> to vector<2048x128xf32>
    %sub3A_729 = vector.broadcast %broadcast_in_dim3A : vector<2048x1xf32> to vector<2048x128xf32>
    %sub3A_730 = arith.subf %sub3A_729, %slice3A_728 : vector<2048x128xf32>
    %get3A_731 = arith.constant 0 : index
    %get3A_732 = arith.constant 6016 : index
    %get3A_733 = vector.load %arg4[%get3A_731, %get3A_732] : memref<1x8192xf32, #tpu.memory_space<vmem>>, vector<1x128xf32>
    %add3A_734 = vector.broadcast %get3A_733 : vector<1x128xf32> to vector<2048x128xf32>
    %add3A_735 = arith.addf %sub3A_730, %add3A_734 : vector<2048x128xf32>
    %lt3A_736 = arith.cmpf olt, %add3A_735, %select_n3A_727 : vector<2048x128xf32>
    %add3A_737 = arith.constant 6016 : i32
    %add3A_738 = vector.broadcast %add3A_737 : i32 to vector<2048x128xi32>
    %add3A_739 = arith.addi %iota3A, %add3A_738 : vector<2048x128xi32>
    %select_n3A_740 = arith.select %lt3A_736, %add3A_739, %select_n3A_726 : vector<2048x128xi1>, vector<2048x128xi32>
    %select_n3A_741 = arith.select %lt3A_736, %add3A_735, %select_n3A_727 : vector<2048x128xi1>, vector<2048x128xf32>
    %reduce_min3A_742 = arith.constant dense<0x7F800000> : vector<2048xf32>
    %reduce_min3A_743 = vector.multi_reduction <minimumf>, %select_n3A_741, %reduce_min3A_742 [1] : vector<2048x128xf32> to vector<2048xf32>
    %broadcast_in_dim3A_744 = vector.shape_cast %reduce_min3A_743 : vector<2048xf32> to vector<2048x1xf32>
    %eq3A_745 = vector.broadcast %broadcast_in_dim3A_744 : vector<2048x1xf32> to vector<2048x128xf32>
    %eq3A_746 = arith.cmpf oeq, %select_n3A_741, %eq3A_745 : vector<2048x128xf32>
    %jit3A_747 = arith.constant 2147483647 : i32
    %broadcast_in_dim3A_748 = vector.broadcast %jit3A_747 : i32 to vector<2048x128xi32>
    %select_n3A_749 = arith.select %eq3A_746, %select_n3A_740, %broadcast_in_dim3A_748 : vector<2048x128xi1>, vector<2048x128xi32>
    %reduce_min3A_750 = arith.constant dense<2147483647> : vector<2048xi32>
    %reduce_min3A_751 = vector.multi_reduction <minsi>, %select_n3A_749, %reduce_min3A_750 [1] : vector<2048x128xi32> to vector<2048xi32>
    %lt3A_752 = arith.cmpf olt, %reduce_min3A_743, %convert_element_type3A_507 : vector<2048xf32>
    %select_n3A_753 = arith.select %lt3A_752, %reduce_min3A_751, %select_n3A_504 : vector<2048xi1>, vector<2048xi32>
    %select_n3A_754 = arith.select %lt3A_752, %reduce_min3A_743, %convert_element_type3A_507 : vector<2048xi1>, vector<2048xf32>
    %convert_element_type3A_755 = arith.truncf %select_n3A_754 : vector<2048xf32> to vector<2048xbf16>
    %convert_element_type3A_756 = arith.extf %convert_element_type3A_755 : vector<2048xbf16> to vector<2048xf32>
    %get3A_757 = arith.constant 6144 : index
    %get3A_758 = arith.constant 0 : index
    %get3A_759 = vector.load %arg3[%get3A_757, %get3A_758] : memref<8192x32xf32, #tpu.memory_space<vmem>>, vector<2048x32xf32>
    %convert_element_type3A_760 = arith.truncf %get3A_759 : vector<2048x32xf32> to vector<2048x32xbf16>
    %dot_general3A_761 = arith.constant dense<0.000000e+00> : vector<2048x2048xf32>
    %dot_general3A_762 = tpu.matmul %convert_element_type3A_11, %convert_element_type3A_760, %dot_general3A_761 {dimension_numbers = #tpu.dot_dimension_numbers<[1], [1], [0], [0], [0, 0, 1, 0], [], []>, transpose_lhs_hint = false} : vector<2048x32xbf16>, vector<2048x32xbf16>, vector<2048x2048xf32> -> vector<2048x2048xf32>
    %broadcast_in_dim3A_763 = arith.constant 0x7F800000 : f32
    %broadcast_in_dim3A_764 = vector.broadcast %broadcast_in_dim3A_763 : f32 to vector<2048x128xf32>
    %broadcast_in_dim3A_765 = arith.constant 0 : i32
    %broadcast_in_dim3A_766 = vector.broadcast %broadcast_in_dim3A_765 : i32 to vector<2048x128xi32>
    %slice3A_767 = vector.extract_strided_slice %dot_general3A_762 {offsets = [0, 0], sizes = [2048, 128], strides = [1, 1]} : vector<2048x2048xf32> to vector<2048x128xf32>
    %sub3A_768 = vector.broadcast %broadcast_in_dim3A : vector<2048x1xf32> to vector<2048x128xf32>
    %sub3A_769 = arith.subf %sub3A_768, %slice3A_767 : vector<2048x128xf32>
    %get3A_770 = arith.constant 0 : index
    %get3A_771 = arith.constant 6144 : index
    %get3A_772 = vector.load %arg4[%get3A_770, %get3A_771] : memref<1x8192xf32, #tpu.memory_space<vmem>>, vector<1x128xf32>
    %add3A_773 = vector.broadcast %get3A_772 : vector<1x128xf32> to vector<2048x128xf32>
    %add3A_774 = arith.addf %sub3A_769, %add3A_773 : vector<2048x128xf32>
    %lt3A_775 = arith.cmpf olt, %add3A_774, %broadcast_in_dim3A_764 : vector<2048x128xf32>
    %add3A_776 = arith.constant 6144 : i32
    %add3A_777 = vector.broadcast %add3A_776 : i32 to vector<2048x128xi32>
    %add3A_778 = arith.addi %iota3A, %add3A_777 : vector<2048x128xi32>
    %select_n3A_779 = arith.select %lt3A_775, %add3A_778, %broadcast_in_dim3A_766 : vector<2048x128xi1>, vector<2048x128xi32>
    %select_n3A_780 = arith.select %lt3A_775, %add3A_774, %broadcast_in_dim3A_764 : vector<2048x128xi1>, vector<2048x128xf32>
    %slice3A_781 = vector.extract_strided_slice %dot_general3A_762 {offsets = [0, 128], sizes = [2048, 128], strides = [1, 1]} : vector<2048x2048xf32> to vector<2048x128xf32>
    %sub3A_782 = vector.broadcast %broadcast_in_dim3A : vector<2048x1xf32> to vector<2048x128xf32>
    %sub3A_783 = arith.subf %sub3A_782, %slice3A_781 : vector<2048x128xf32>
    %get3A_784 = arith.constant 0 : index
    %get3A_785 = arith.constant 6272 : index
    %get3A_786 = vector.load %arg4[%get3A_784, %get3A_785] : memref<1x8192xf32, #tpu.memory_space<vmem>>, vector<1x128xf32>
    %add3A_787 = vector.broadcast %get3A_786 : vector<1x128xf32> to vector<2048x128xf32>
    %add3A_788 = arith.addf %sub3A_783, %add3A_787 : vector<2048x128xf32>
    %lt3A_789 = arith.cmpf olt, %add3A_788, %select_n3A_780 : vector<2048x128xf32>
    %add3A_790 = arith.constant 6272 : i32
    %add3A_791 = vector.broadcast %add3A_790 : i32 to vector<2048x128xi32>
    %add3A_792 = arith.addi %iota3A, %add3A_791 : vector<2048x128xi32>
    %select_n3A_793 = arith.select %lt3A_789, %add3A_792, %select_n3A_779 : vector<2048x128xi1>, vector<2048x128xi32>
    %select_n3A_794 = arith.select %lt3A_789, %add3A_788, %select_n3A_780 : vector<2048x128xi1>, vector<2048x128xf32>
    %slice3A_795 = vector.extract_strided_slice %dot_general3A_762 {offsets = [0, 256], sizes = [2048, 128], strides = [1, 1]} : vector<2048x2048xf32> to vector<2048x128xf32>
    %sub3A_796 = vector.broadcast %broadcast_in_dim3A : vector<2048x1xf32> to vector<2048x128xf32>
    %sub3A_797 = arith.subf %sub3A_796, %slice3A_795 : vector<2048x128xf32>
    %get3A_798 = arith.constant 0 : index
    %get3A_799 = arith.constant 6400 : index
    %get3A_800 = vector.load %arg4[%get3A_798, %get3A_799] : memref<1x8192xf32, #tpu.memory_space<vmem>>, vector<1x128xf32>
    %add3A_801 = vector.broadcast %get3A_800 : vector<1x128xf32> to vector<2048x128xf32>
    %add3A_802 = arith.addf %sub3A_797, %add3A_801 : vector<2048x128xf32>
    %lt3A_803 = arith.cmpf olt, %add3A_802, %select_n3A_794 : vector<2048x128xf32>
    %add3A_804 = arith.constant 6400 : i32
    %add3A_805 = vector.broadcast %add3A_804 : i32 to vector<2048x128xi32>
    %add3A_806 = arith.addi %iota3A, %add3A_805 : vector<2048x128xi32>
    %select_n3A_807 = arith.select %lt3A_803, %add3A_806, %select_n3A_793 : vector<2048x128xi1>, vector<2048x128xi32>
    %select_n3A_808 = arith.select %lt3A_803, %add3A_802, %select_n3A_794 : vector<2048x128xi1>, vector<2048x128xf32>
    %slice3A_809 = vector.extract_strided_slice %dot_general3A_762 {offsets = [0, 384], sizes = [2048, 128], strides = [1, 1]} : vector<2048x2048xf32> to vector<2048x128xf32>
    %sub3A_810 = vector.broadcast %broadcast_in_dim3A : vector<2048x1xf32> to vector<2048x128xf32>
    %sub3A_811 = arith.subf %sub3A_810, %slice3A_809 : vector<2048x128xf32>
    %get3A_812 = arith.constant 0 : index
    %get3A_813 = arith.constant 6528 : index
    %get3A_814 = vector.load %arg4[%get3A_812, %get3A_813] : memref<1x8192xf32, #tpu.memory_space<vmem>>, vector<1x128xf32>
    %add3A_815 = vector.broadcast %get3A_814 : vector<1x128xf32> to vector<2048x128xf32>
    %add3A_816 = arith.addf %sub3A_811, %add3A_815 : vector<2048x128xf32>
    %lt3A_817 = arith.cmpf olt, %add3A_816, %select_n3A_808 : vector<2048x128xf32>
    %add3A_818 = arith.constant 6528 : i32
    %add3A_819 = vector.broadcast %add3A_818 : i32 to vector<2048x128xi32>
    %add3A_820 = arith.addi %iota3A, %add3A_819 : vector<2048x128xi32>
    %select_n3A_821 = arith.select %lt3A_817, %add3A_820, %select_n3A_807 : vector<2048x128xi1>, vector<2048x128xi32>
    %select_n3A_822 = arith.select %lt3A_817, %add3A_816, %select_n3A_808 : vector<2048x128xi1>, vector<2048x128xf32>
    %slice3A_823 = vector.extract_strided_slice %dot_general3A_762 {offsets = [0, 512], sizes = [2048, 128], strides = [1, 1]} : vector<2048x2048xf32> to vector<2048x128xf32>
    %sub3A_824 = vector.broadcast %broadcast_in_dim3A : vector<2048x1xf32> to vector<2048x128xf32>
    %sub3A_825 = arith.subf %sub3A_824, %slice3A_823 : vector<2048x128xf32>
    %get3A_826 = arith.constant 0 : index
    %get3A_827 = arith.constant 6656 : index
    %get3A_828 = vector.load %arg4[%get3A_826, %get3A_827] : memref<1x8192xf32, #tpu.memory_space<vmem>>, vector<1x128xf32>
    %add3A_829 = vector.broadcast %get3A_828 : vector<1x128xf32> to vector<2048x128xf32>
    %add3A_830 = arith.addf %sub3A_825, %add3A_829 : vector<2048x128xf32>
    %lt3A_831 = arith.cmpf olt, %add3A_830, %select_n3A_822 : vector<2048x128xf32>
    %add3A_832 = arith.constant 6656 : i32
    %add3A_833 = vector.broadcast %add3A_832 : i32 to vector<2048x128xi32>
    %add3A_834 = arith.addi %iota3A, %add3A_833 : vector<2048x128xi32>
    %select_n3A_835 = arith.select %lt3A_831, %add3A_834, %select_n3A_821 : vector<2048x128xi1>, vector<2048x128xi32>
    %select_n3A_836 = arith.select %lt3A_831, %add3A_830, %select_n3A_822 : vector<2048x128xi1>, vector<2048x128xf32>
    %slice3A_837 = vector.extract_strided_slice %dot_general3A_762 {offsets = [0, 640], sizes = [2048, 128], strides = [1, 1]} : vector<2048x2048xf32> to vector<2048x128xf32>
    %sub3A_838 = vector.broadcast %broadcast_in_dim3A : vector<2048x1xf32> to vector<2048x128xf32>
    %sub3A_839 = arith.subf %sub3A_838, %slice3A_837 : vector<2048x128xf32>
    %get3A_840 = arith.constant 0 : index
    %get3A_841 = arith.constant 6784 : index
    %get3A_842 = vector.load %arg4[%get3A_840, %get3A_841] : memref<1x8192xf32, #tpu.memory_space<vmem>>, vector<1x128xf32>
    %add3A_843 = vector.broadcast %get3A_842 : vector<1x128xf32> to vector<2048x128xf32>
    %add3A_844 = arith.addf %sub3A_839, %add3A_843 : vector<2048x128xf32>
    %lt3A_845 = arith.cmpf olt, %add3A_844, %select_n3A_836 : vector<2048x128xf32>
    %add3A_846 = arith.constant 6784 : i32
    %add3A_847 = vector.broadcast %add3A_846 : i32 to vector<2048x128xi32>
    %add3A_848 = arith.addi %iota3A, %add3A_847 : vector<2048x128xi32>
    %select_n3A_849 = arith.select %lt3A_845, %add3A_848, %select_n3A_835 : vector<2048x128xi1>, vector<2048x128xi32>
    %select_n3A_850 = arith.select %lt3A_845, %add3A_844, %select_n3A_836 : vector<2048x128xi1>, vector<2048x128xf32>
    %slice3A_851 = vector.extract_strided_slice %dot_general3A_762 {offsets = [0, 768], sizes = [2048, 128], strides = [1, 1]} : vector<2048x2048xf32> to vector<2048x128xf32>
    %sub3A_852 = vector.broadcast %broadcast_in_dim3A : vector<2048x1xf32> to vector<2048x128xf32>
    %sub3A_853 = arith.subf %sub3A_852, %slice3A_851 : vector<2048x128xf32>
    %get3A_854 = arith.constant 0 : index
    %get3A_855 = arith.constant 6912 : index
    %get3A_856 = vector.load %arg4[%get3A_854, %get3A_855] : memref<1x8192xf32, #tpu.memory_space<vmem>>, vector<1x128xf32>
    %add3A_857 = vector.broadcast %get3A_856 : vector<1x128xf32> to vector<2048x128xf32>
    %add3A_858 = arith.addf %sub3A_853, %add3A_857 : vector<2048x128xf32>
    %lt3A_859 = arith.cmpf olt, %add3A_858, %select_n3A_850 : vector<2048x128xf32>
    %add3A_860 = arith.constant 6912 : i32
    %add3A_861 = vector.broadcast %add3A_860 : i32 to vector<2048x128xi32>
    %add3A_862 = arith.addi %iota3A, %add3A_861 : vector<2048x128xi32>
    %select_n3A_863 = arith.select %lt3A_859, %add3A_862, %select_n3A_849 : vector<2048x128xi1>, vector<2048x128xi32>
    %select_n3A_864 = arith.select %lt3A_859, %add3A_858, %select_n3A_850 : vector<2048x128xi1>, vector<2048x128xf32>
    %slice3A_865 = vector.extract_strided_slice %dot_general3A_762 {offsets = [0, 896], sizes = [2048, 128], strides = [1, 1]} : vector<2048x2048xf32> to vector<2048x128xf32>
    %sub3A_866 = vector.broadcast %broadcast_in_dim3A : vector<2048x1xf32> to vector<2048x128xf32>
    %sub3A_867 = arith.subf %sub3A_866, %slice3A_865 : vector<2048x128xf32>
    %get3A_868 = arith.constant 0 : index
    %get3A_869 = arith.constant 7040 : index
    %get3A_870 = vector.load %arg4[%get3A_868, %get3A_869] : memref<1x8192xf32, #tpu.memory_space<vmem>>, vector<1x128xf32>
    %add3A_871 = vector.broadcast %get3A_870 : vector<1x128xf32> to vector<2048x128xf32>
    %add3A_872 = arith.addf %sub3A_867, %add3A_871 : vector<2048x128xf32>
    %lt3A_873 = arith.cmpf olt, %add3A_872, %select_n3A_864 : vector<2048x128xf32>
    %add3A_874 = arith.constant 7040 : i32
    %add3A_875 = vector.broadcast %add3A_874 : i32 to vector<2048x128xi32>
    %add3A_876 = arith.addi %iota3A, %add3A_875 : vector<2048x128xi32>
    %select_n3A_877 = arith.select %lt3A_873, %add3A_876, %select_n3A_863 : vector<2048x128xi1>, vector<2048x128xi32>
    %select_n3A_878 = arith.select %lt3A_873, %add3A_872, %select_n3A_864 : vector<2048x128xi1>, vector<2048x128xf32>
    %slice3A_879 = vector.extract_strided_slice %dot_general3A_762 {offsets = [0, 1024], sizes = [2048, 128], strides = [1, 1]} : vector<2048x2048xf32> to vector<2048x128xf32>
    %sub3A_880 = vector.broadcast %broadcast_in_dim3A : vector<2048x1xf32> to vector<2048x128xf32>
    %sub3A_881 = arith.subf %sub3A_880, %slice3A_879 : vector<2048x128xf32>
    %get3A_882 = arith.constant 0 : index
    %get3A_883 = arith.constant 7168 : index
    %get3A_884 = vector.load %arg4[%get3A_882, %get3A_883] : memref<1x8192xf32, #tpu.memory_space<vmem>>, vector<1x128xf32>
    %add3A_885 = vector.broadcast %get3A_884 : vector<1x128xf32> to vector<2048x128xf32>
    %add3A_886 = arith.addf %sub3A_881, %add3A_885 : vector<2048x128xf32>
    %lt3A_887 = arith.cmpf olt, %add3A_886, %select_n3A_878 : vector<2048x128xf32>
    %add3A_888 = arith.constant 7168 : i32
    %add3A_889 = vector.broadcast %add3A_888 : i32 to vector<2048x128xi32>
    %add3A_890 = arith.addi %iota3A, %add3A_889 : vector<2048x128xi32>
    %select_n3A_891 = arith.select %lt3A_887, %add3A_890, %select_n3A_877 : vector<2048x128xi1>, vector<2048x128xi32>
    %select_n3A_892 = arith.select %lt3A_887, %add3A_886, %select_n3A_878 : vector<2048x128xi1>, vector<2048x128xf32>
    %slice3A_893 = vector.extract_strided_slice %dot_general3A_762 {offsets = [0, 1152], sizes = [2048, 128], strides = [1, 1]} : vector<2048x2048xf32> to vector<2048x128xf32>
    %sub3A_894 = vector.broadcast %broadcast_in_dim3A : vector<2048x1xf32> to vector<2048x128xf32>
    %sub3A_895 = arith.subf %sub3A_894, %slice3A_893 : vector<2048x128xf32>
    %get3A_896 = arith.constant 0 : index
    %get3A_897 = arith.constant 7296 : index
    %get3A_898 = vector.load %arg4[%get3A_896, %get3A_897] : memref<1x8192xf32, #tpu.memory_space<vmem>>, vector<1x128xf32>
    %add3A_899 = vector.broadcast %get3A_898 : vector<1x128xf32> to vector<2048x128xf32>
    %add3A_900 = arith.addf %sub3A_895, %add3A_899 : vector<2048x128xf32>
    %lt3A_901 = arith.cmpf olt, %add3A_900, %select_n3A_892 : vector<2048x128xf32>
    %add3A_902 = arith.constant 7296 : i32
    %add3A_903 = vector.broadcast %add3A_902 : i32 to vector<2048x128xi32>
    %add3A_904 = arith.addi %iota3A, %add3A_903 : vector<2048x128xi32>
    %select_n3A_905 = arith.select %lt3A_901, %add3A_904, %select_n3A_891 : vector<2048x128xi1>, vector<2048x128xi32>
    %select_n3A_906 = arith.select %lt3A_901, %add3A_900, %select_n3A_892 : vector<2048x128xi1>, vector<2048x128xf32>
    %slice3A_907 = vector.extract_strided_slice %dot_general3A_762 {offsets = [0, 1280], sizes = [2048, 128], strides = [1, 1]} : vector<2048x2048xf32> to vector<2048x128xf32>
    %sub3A_908 = vector.broadcast %broadcast_in_dim3A : vector<2048x1xf32> to vector<2048x128xf32>
    %sub3A_909 = arith.subf %sub3A_908, %slice3A_907 : vector<2048x128xf32>
    %get3A_910 = arith.constant 0 : index
    %get3A_911 = arith.constant 7424 : index
    %get3A_912 = vector.load %arg4[%get3A_910, %get3A_911] : memref<1x8192xf32, #tpu.memory_space<vmem>>, vector<1x128xf32>
    %add3A_913 = vector.broadcast %get3A_912 : vector<1x128xf32> to vector<2048x128xf32>
    %add3A_914 = arith.addf %sub3A_909, %add3A_913 : vector<2048x128xf32>
    %lt3A_915 = arith.cmpf olt, %add3A_914, %select_n3A_906 : vector<2048x128xf32>
    %add3A_916 = arith.constant 7424 : i32
    %add3A_917 = vector.broadcast %add3A_916 : i32 to vector<2048x128xi32>
    %add3A_918 = arith.addi %iota3A, %add3A_917 : vector<2048x128xi32>
    %select_n3A_919 = arith.select %lt3A_915, %add3A_918, %select_n3A_905 : vector<2048x128xi1>, vector<2048x128xi32>
    %select_n3A_920 = arith.select %lt3A_915, %add3A_914, %select_n3A_906 : vector<2048x128xi1>, vector<2048x128xf32>
    %slice3A_921 = vector.extract_strided_slice %dot_general3A_762 {offsets = [0, 1408], sizes = [2048, 128], strides = [1, 1]} : vector<2048x2048xf32> to vector<2048x128xf32>
    %sub3A_922 = vector.broadcast %broadcast_in_dim3A : vector<2048x1xf32> to vector<2048x128xf32>
    %sub3A_923 = arith.subf %sub3A_922, %slice3A_921 : vector<2048x128xf32>
    %get3A_924 = arith.constant 0 : index
    %get3A_925 = arith.constant 7552 : index
    %get3A_926 = vector.load %arg4[%get3A_924, %get3A_925] : memref<1x8192xf32, #tpu.memory_space<vmem>>, vector<1x128xf32>
    %add3A_927 = vector.broadcast %get3A_926 : vector<1x128xf32> to vector<2048x128xf32>
    %add3A_928 = arith.addf %sub3A_923, %add3A_927 : vector<2048x128xf32>
    %lt3A_929 = arith.cmpf olt, %add3A_928, %select_n3A_920 : vector<2048x128xf32>
    %add3A_930 = arith.constant 7552 : i32
    %add3A_931 = vector.broadcast %add3A_930 : i32 to vector<2048x128xi32>
    %add3A_932 = arith.addi %iota3A, %add3A_931 : vector<2048x128xi32>
    %select_n3A_933 = arith.select %lt3A_929, %add3A_932, %select_n3A_919 : vector<2048x128xi1>, vector<2048x128xi32>
    %select_n3A_934 = arith.select %lt3A_929, %add3A_928, %select_n3A_920 : vector<2048x128xi1>, vector<2048x128xf32>
    %slice3A_935 = vector.extract_strided_slice %dot_general3A_762 {offsets = [0, 1536], sizes = [2048, 128], strides = [1, 1]} : vector<2048x2048xf32> to vector<2048x128xf32>
    %sub3A_936 = vector.broadcast %broadcast_in_dim3A : vector<2048x1xf32> to vector<2048x128xf32>
    %sub3A_937 = arith.subf %sub3A_936, %slice3A_935 : vector<2048x128xf32>
    %get3A_938 = arith.constant 0 : index
    %get3A_939 = arith.constant 7680 : index
    %get3A_940 = vector.load %arg4[%get3A_938, %get3A_939] : memref<1x8192xf32, #tpu.memory_space<vmem>>, vector<1x128xf32>
    %add3A_941 = vector.broadcast %get3A_940 : vector<1x128xf32> to vector<2048x128xf32>
    %add3A_942 = arith.addf %sub3A_937, %add3A_941 : vector<2048x128xf32>
    %lt3A_943 = arith.cmpf olt, %add3A_942, %select_n3A_934 : vector<2048x128xf32>
    %add3A_944 = arith.constant 7680 : i32
    %add3A_945 = vector.broadcast %add3A_944 : i32 to vector<2048x128xi32>
    %add3A_946 = arith.addi %iota3A, %add3A_945 : vector<2048x128xi32>
    %select_n3A_947 = arith.select %lt3A_943, %add3A_946, %select_n3A_933 : vector<2048x128xi1>, vector<2048x128xi32>
    %select_n3A_948 = arith.select %lt3A_943, %add3A_942, %select_n3A_934 : vector<2048x128xi1>, vector<2048x128xf32>
    %slice3A_949 = vector.extract_strided_slice %dot_general3A_762 {offsets = [0, 1664], sizes = [2048, 128], strides = [1, 1]} : vector<2048x2048xf32> to vector<2048x128xf32>
    %sub3A_950 = vector.broadcast %broadcast_in_dim3A : vector<2048x1xf32> to vector<2048x128xf32>
    %sub3A_951 = arith.subf %sub3A_950, %slice3A_949 : vector<2048x128xf32>
    %get3A_952 = arith.constant 0 : index
    %get3A_953 = arith.constant 7808 : index
    %get3A_954 = vector.load %arg4[%get3A_952, %get3A_953] : memref<1x8192xf32, #tpu.memory_space<vmem>>, vector<1x128xf32>
    %add3A_955 = vector.broadcast %get3A_954 : vector<1x128xf32> to vector<2048x128xf32>
    %add3A_956 = arith.addf %sub3A_951, %add3A_955 : vector<2048x128xf32>
    %lt3A_957 = arith.cmpf olt, %add3A_956, %select_n3A_948 : vector<2048x128xf32>
    %add3A_958 = arith.constant 7808 : i32
    %add3A_959 = vector.broadcast %add3A_958 : i32 to vector<2048x128xi32>
    %add3A_960 = arith.addi %iota3A, %add3A_959 : vector<2048x128xi32>
    %select_n3A_961 = arith.select %lt3A_957, %add3A_960, %select_n3A_947 : vector<2048x128xi1>, vector<2048x128xi32>
    %select_n3A_962 = arith.select %lt3A_957, %add3A_956, %select_n3A_948 : vector<2048x128xi1>, vector<2048x128xf32>
    %slice3A_963 = vector.extract_strided_slice %dot_general3A_762 {offsets = [0, 1792], sizes = [2048, 128], strides = [1, 1]} : vector<2048x2048xf32> to vector<2048x128xf32>
    %sub3A_964 = vector.broadcast %broadcast_in_dim3A : vector<2048x1xf32> to vector<2048x128xf32>
    %sub3A_965 = arith.subf %sub3A_964, %slice3A_963 : vector<2048x128xf32>
    %get3A_966 = arith.constant 0 : index
    %get3A_967 = arith.constant 7936 : index
    %get3A_968 = vector.load %arg4[%get3A_966, %get3A_967] : memref<1x8192xf32, #tpu.memory_space<vmem>>, vector<1x128xf32>
    %add3A_969 = vector.broadcast %get3A_968 : vector<1x128xf32> to vector<2048x128xf32>
    %add3A_970 = arith.addf %sub3A_965, %add3A_969 : vector<2048x128xf32>
    %lt3A_971 = arith.cmpf olt, %add3A_970, %select_n3A_962 : vector<2048x128xf32>
    %add3A_972 = arith.constant 7936 : i32
    %add3A_973 = vector.broadcast %add3A_972 : i32 to vector<2048x128xi32>
    %add3A_974 = arith.addi %iota3A, %add3A_973 : vector<2048x128xi32>
    %select_n3A_975 = arith.select %lt3A_971, %add3A_974, %select_n3A_961 : vector<2048x128xi1>, vector<2048x128xi32>
    %select_n3A_976 = arith.select %lt3A_971, %add3A_970, %select_n3A_962 : vector<2048x128xi1>, vector<2048x128xf32>
    %slice3A_977 = vector.extract_strided_slice %dot_general3A_762 {offsets = [0, 1920], sizes = [2048, 128], strides = [1, 1]} : vector<2048x2048xf32> to vector<2048x128xf32>
    %sub3A_978 = vector.broadcast %broadcast_in_dim3A : vector<2048x1xf32> to vector<2048x128xf32>
    %sub3A_979 = arith.subf %sub3A_978, %slice3A_977 : vector<2048x128xf32>
    %get3A_980 = arith.constant 0 : index
    %get3A_981 = arith.constant 8064 : index
    %get3A_982 = vector.load %arg4[%get3A_980, %get3A_981] : memref<1x8192xf32, #tpu.memory_space<vmem>>, vector<1x128xf32>
    %add3A_983 = vector.broadcast %get3A_982 : vector<1x128xf32> to vector<2048x128xf32>
    %add3A_984 = arith.addf %sub3A_979, %add3A_983 : vector<2048x128xf32>
    %lt3A_985 = arith.cmpf olt, %add3A_984, %select_n3A_976 : vector<2048x128xf32>
    %add3A_986 = arith.constant 8064 : i32
    %add3A_987 = vector.broadcast %add3A_986 : i32 to vector<2048x128xi32>
    %add3A_988 = arith.addi %iota3A, %add3A_987 : vector<2048x128xi32>
    %select_n3A_989 = arith.select %lt3A_985, %add3A_988, %select_n3A_975 : vector<2048x128xi1>, vector<2048x128xi32>
    %select_n3A_990 = arith.select %lt3A_985, %add3A_984, %select_n3A_976 : vector<2048x128xi1>, vector<2048x128xf32>
    %reduce_min3A_991 = arith.constant dense<0x7F800000> : vector<2048xf32>
    %reduce_min3A_992 = vector.multi_reduction <minimumf>, %select_n3A_990, %reduce_min3A_991 [1] : vector<2048x128xf32> to vector<2048xf32>
    %broadcast_in_dim3A_993 = vector.shape_cast %reduce_min3A_992 : vector<2048xf32> to vector<2048x1xf32>
    %eq3A_994 = vector.broadcast %broadcast_in_dim3A_993 : vector<2048x1xf32> to vector<2048x128xf32>
    %eq3A_995 = arith.cmpf oeq, %select_n3A_990, %eq3A_994 : vector<2048x128xf32>
    %jit3A_996 = arith.constant 2147483647 : i32
    %broadcast_in_dim3A_997 = vector.broadcast %jit3A_996 : i32 to vector<2048x128xi32>
    %select_n3A_998 = arith.select %eq3A_995, %select_n3A_989, %broadcast_in_dim3A_997 : vector<2048x128xi1>, vector<2048x128xi32>
    %reduce_min3A_999 = arith.constant dense<2147483647> : vector<2048xi32>
    %reduce_min3A_1000 = vector.multi_reduction <minsi>, %select_n3A_998, %reduce_min3A_999 [1] : vector<2048x128xi32> to vector<2048xi32>
    %lt3A_1001 = arith.cmpf olt, %reduce_min3A_992, %convert_element_type3A_756 : vector<2048xf32>
    %select_n3A_1002 = arith.select %lt3A_1001, %reduce_min3A_1000, %select_n3A_753 : vector<2048xi1>, vector<2048xi32>
    %reshape3A = vector.shape_cast %select_n3A_1002 : vector<2048xi32> to vector<16x128xi32>
    %mul3A_1003 = arith.constant 16 : i32
    %mul3A_1004 = arith.muli %arg0, %mul3A_1003 : i32
    %swap3A_1005 = arith.index_cast %mul3A_1004 : i32 to index
    %swap3A_1006 = arith.constant 0 : index
    %swap3A_1007 = vector.load %arg6[%swap3A_1005, %swap3A_1006] : memref<64x128xi32, #tpu.memory_space<vmem>>, vector<16x128xi32>
    tpu.vector_store %arg6[%swap3A_1005, %swap3A_1006], %reshape3A {strides = array<i32>} : memref<64x128xi32, #tpu.memory_space<vmem>>, vector<16x128xi32>,
    return
  }
  func.func @transform_0(%arg0: i32) -> (i32, i32) {
    %c0_i32 = arith.constant 0 : i32
    %c0_i32_0 = arith.constant 0 : i32
    return %arg0, %c0_i32 : i32, i32
  }
  func.func @transform_1(%arg0: i32) -> (i32, i32) {
    %c0_i32 = arith.constant 0 : i32
    %c0_i32_0 = arith.constant 0 : i32
    %c0_i32_1 = arith.constant 0 : i32
    return %c0_i32, %c0_i32_0 : i32, i32
  }
  func.func @transform_2(%arg0: i32) -> (i32, i32) {
    %c0_i32 = arith.constant 0 : i32
    %c0_i32_0 = arith.constant 0 : i32
    %c0_i32_1 = arith.constant 0 : i32
    return %c0_i32, %c0_i32_0 : i32, i32
  }
  func.func @transform_3(%arg0: i32) -> (i32, i32) {
    %c0_i32 = arith.constant 0 : i32
    %c0_i32_0 = arith.constant 0 : i32
    %c0_i32_1 = arith.constant 0 : i32
    return %c0_i32, %c0_i32_0 : i32, i32
  }
  func.func @transform_4(%arg0: i32) -> (i32, i32) {
    %c0_i32 = arith.constant 0 : i32
    %c0_i32_0 = arith.constant 0 : i32
    return %arg0, %c0_i32 : i32, i32
  }
  func.func @transform_5(%arg0: i32) -> (i32, i32) {
    %c0_i32 = arith.constant 0 : i32
    %c0_i32_0 = arith.constant 0 : i32
    %c0_i32_1 = arith.constant 0 : i32
    return %c0_i32, %c0_i32_0 : i32, i32
  }
}

module attributes {stable_mosaic.version = 14 : i64} {
  func.func @_decode_body(%arg0: i32, %arg1: memref<2048x96xf32, #tpu.memory_space<vmem>>, %arg2: memref<2048x32xf32, #tpu.memory_space<vmem>>, %arg3: memref<2048x32xf32, #tpu.memory_space<vmem>>, %arg4: memref<32x96xf32, #tpu.memory_space<vmem>>, %arg5: memref<2048x96xf32, #tpu.memory_space<vmem>>, %arg6: memref<1x1xf32, #tpu.memory_space<vmem>>, %arg7: memref<2xf32, #tpu.memory_space<smem>>) attributes {dimension_semantics = [#tpu.dimension_semantics<arbitrary>], iteration_bounds = array<i64: 4>, scalar_prefetch = 0 : i64, scratch_operands = 1 : i64, tpu.core_type = #tpu.core_type<tc>, window_params = [{transform_indices = @transform_0, window_bounds = array<i64: 2048, 96>}, {transform_indices = @transform_1, window_bounds = array<i64: 2048, 32>}, {transform_indices = @transform_2, window_bounds = array<i64: 2048, 32>}, {pipeline_mode = #tpu.pipeline_mode<synchronous>, transform_indices = @transform_3, window_bounds = array<i64: 32, 96>}, {transform_indices = @transform_4, window_bounds = array<i64: 2048, 96>}, {pipeline_mode = #tpu.pipeline_mode<synchronous>, transform_indices = @transform_5, window_bounds = array<i64: 1, 1>}]} {
    %eq3A = arith.constant 0 : i32
    %eq3A_0 = arith.cmpi eq, %arg0, %eq3A : i32
    %convert_element_type3A = arith.extui %eq3A_0 : i1 to i32
    %cond3A = arith.constant 0 : i32
    %cond3A_1 = arith.cmpi ne, %convert_element_type3A, %cond3A : i32
    scf.if %cond3A_1 {
      %swap3A_43 = arith.constant 0.000000e+00 : f32
      %swap3A_44 = arith.constant 0 : index
      %swap3A_45 = memref.load %arg7[%swap3A_44] : memref<2xf32, #tpu.memory_space<smem>>
      memref.store %swap3A_43, %arg7[%swap3A_44] : memref<2xf32, #tpu.memory_space<smem>>
      %swap3A_46 = arith.constant 0.000000e+00 : f32
      %swap3A_47 = arith.constant 1 : index
      %swap3A_48 = memref.load %arg7[%swap3A_47] : memref<2xf32, #tpu.memory_space<smem>>
      memref.store %swap3A_46, %arg7[%swap3A_47] : memref<2xf32, #tpu.memory_space<smem>>
    } else {
    }
    %get3A = arith.constant 0 : index
    %get3A_2 = arith.constant 0 : index
    %get3A_3 = vector.load %arg3[%get3A, %get3A_2] : memref<2048x32xf32, #tpu.memory_space<vmem>>, vector<2048x32xf32>
    %convert_element_type3A_4 = arith.truncf %get3A_3 : vector<2048x32xf32> to vector<2048x32xbf16>
    %get3A_5 = arith.constant 0 : index
    %get3A_6 = arith.constant 0 : index
    %get3A_7 = vector.load %arg4[%get3A_5, %get3A_6] : memref<32x96xf32, #tpu.memory_space<vmem>>, vector<32x96xf32>
    %convert_element_type3A_8 = arith.truncf %get3A_7 : vector<32x96xf32> to vector<32x96xbf16>
    %dot_general3A = arith.constant dense<0.000000e+00> : vector<2048x96xf32>
    %dot_general3A_9 = tpu.matmul %convert_element_type3A_4, %convert_element_type3A_8, %dot_general3A {dimension_numbers = #tpu.dot_dimension_numbers<[1], [0], [0], [1], [0, 0, 1, 1], [], []>, transpose_lhs_hint = false} : vector<2048x32xbf16>, vector<32x96xbf16>, vector<2048x96xf32> -> vector<2048x96xf32>
    %swap3A = arith.constant 0 : index
    %swap3A_10 = arith.constant 0 : index
    %swap3A_11 = vector.load %arg5[%swap3A, %swap3A_10] : memref<2048x96xf32, #tpu.memory_space<vmem>>, vector<2048x96xf32>
    tpu.vector_store %arg5[%swap3A, %swap3A_10], %dot_general3A_9 {strides = array<i32>} : memref<2048x96xf32, #tpu.memory_space<vmem>>, vector<2048x96xf32>,
    %get3A_12 = arith.constant 0 : index
    %get3A_13 = arith.constant 0 : index
    %get3A_14 = vector.load %arg2[%get3A_12, %get3A_13] : memref<2048x32xf32, #tpu.memory_space<vmem>>, vector<2048x32xf32>
    %sub3A = arith.subf %get3A_3, %get3A_14 : vector<2048x32xf32>
    %get3A_15 = arith.constant 0 : index
    %get3A_16 = arith.constant 0 : index
    %get3A_17 = vector.load %arg1[%get3A_15, %get3A_16] : memref<2048x96xf32, #tpu.memory_space<vmem>>, vector<2048x96xf32>
    %sub3A_18 = arith.subf %dot_general3A_9, %get3A_17 : vector<2048x96xf32>
    %get3A_19 = arith.constant 0 : index
    %get3A_20 = memref.load %arg7[%get3A_19] : memref<2xf32, #tpu.memory_space<smem>>
    %mul3A = arith.mulf %sub3A, %sub3A : vector<2048x32xf32>
    %reduce_sum3A = vector.shape_cast %mul3A : vector<2048x32xf32> to vector<1x2048x32xf32>
    %reduce_sum3A_21 = arith.constant dense<0.000000e+00> : vector<1xf32>
    %reduce_sum3A_22 = vector.multi_reduction <add>, %reduce_sum3A, %reduce_sum3A_21 [1, 2] : vector<1x2048x32xf32> to vector<1xf32>
    %reduce_sum3A_23 = vector.shape_cast %reduce_sum3A_22 : vector<1xf32> to vector<1x1x1xf32>
    %reduce_sum3A_24 = vector.extract %reduce_sum3A_23[0, 0, 0] : f32 from vector<1x1x1xf32>
    %add3A = arith.addf %get3A_20, %reduce_sum3A_24 : f32
    %swap3A_25 = arith.constant 0 : index
    %swap3A_26 = memref.load %arg7[%swap3A_25] : memref<2xf32, #tpu.memory_space<smem>>
    memref.store %add3A, %arg7[%swap3A_25] : memref<2xf32, #tpu.memory_space<smem>>
    %get3A_27 = arith.constant 1 : index
    %get3A_28 = memref.load %arg7[%get3A_27] : memref<2xf32, #tpu.memory_space<smem>>
    %mul3A_29 = arith.mulf %sub3A_18, %sub3A_18 : vector<2048x96xf32>
    %reduce_sum3A_30 = vector.shape_cast %mul3A_29 : vector<2048x96xf32> to vector<1x2048x96xf32>
    %reduce_sum3A_31 = arith.constant dense<0.000000e+00> : vector<1xf32>
    %reduce_sum3A_32 = vector.multi_reduction <add>, %reduce_sum3A_30, %reduce_sum3A_31 [1, 2] : vector<1x2048x96xf32> to vector<1xf32>
    %reduce_sum3A_33 = vector.shape_cast %reduce_sum3A_32 : vector<1xf32> to vector<1x1x1xf32>
    %reduce_sum3A_34 = vector.extract %reduce_sum3A_33[0, 0, 0] : f32 from vector<1x1x1xf32>
    %add3A_35 = arith.addf %get3A_28, %reduce_sum3A_34 : f32
    %swap3A_36 = arith.constant 1 : index
    %swap3A_37 = memref.load %arg7[%swap3A_36] : memref<2xf32, #tpu.memory_space<smem>>
    memref.store %add3A_35, %arg7[%swap3A_36] : memref<2xf32, #tpu.memory_space<smem>>
    %eq3A_38 = arith.constant 3 : i32
    %eq3A_39 = arith.cmpi eq, %arg0, %eq3A_38 : i32
    %convert_element_type3A_40 = arith.extui %eq3A_39 : i1 to i32
    %cond3A_41 = arith.constant 0 : i32
    %cond3A_42 = arith.cmpi ne, %convert_element_type3A_40, %cond3A_41 : i32
    scf.if %cond3A_42 {
      %get3A_43 = arith.constant 0 : index
      %get3A_44 = memref.load %arg7[%get3A_43] : memref<2xf32, #tpu.memory_space<smem>>
      %mul3A_45 = arith.constant 1.250000e+00 : f32
      %mul3A_46 = arith.mulf %mul3A_45, %get3A_44 : f32
      %div3A = arith.constant 2.621440e+05 : f32
      %div3A_47 = arith.divf %mul3A_46, %div3A : f32
      %get3A_48 = arith.constant 1 : index
      %get3A_49 = memref.load %arg7[%get3A_48] : memref<2xf32, #tpu.memory_space<smem>>
      %div3A_50 = arith.constant 7.864320e+05 : f32
      %div3A_51 = arith.divf %get3A_49, %div3A_50 : f32
      %add3A_52 = arith.addf %div3A_47, %div3A_51 : f32
      %reshape3A = vector.broadcast %add3A_52 : f32 to vector<1x1xf32>
      %swap3A_53 = arith.constant 0 : index
      %swap3A_54 = arith.constant 0 : index
      %swap3A_55 = vector.load %arg6[%swap3A_53, %swap3A_54] : memref<1x1xf32, #tpu.memory_space<vmem>>, vector<1x1xf32>
      tpu.vector_store %arg6[%swap3A_53, %swap3A_54], %reshape3A {strides = array<i32>} : memref<1x1xf32, #tpu.memory_space<vmem>>, vector<1x1xf32>,
    } else {
    }
    return
  }
  func.func @transform_0(%arg0: i32) -> (i32, i32) {
    %c0_i32 = arith.constant 0 : i32
    %c0_i32_0 = arith.constant 0 : i32
    return %arg0, %c0_i32 : i32, i32
  }
  func.func @transform_1(%arg0: i32) -> (i32, i32) {
    %c0_i32 = arith.constant 0 : i32
    %c0_i32_0 = arith.constant 0 : i32
    return %arg0, %c0_i32 : i32, i32
  }
  func.func @transform_2(%arg0: i32) -> (i32, i32) {
    %c0_i32 = arith.constant 0 : i32
    %c0_i32_0 = arith.constant 0 : i32
    return %arg0, %c0_i32 : i32, i32
  }
  func.func @transform_3(%arg0: i32) -> (i32, i32) {
    %c0_i32 = arith.constant 0 : i32
    %c0_i32_0 = arith.constant 0 : i32
    %c0_i32_1 = arith.constant 0 : i32
    return %c0_i32, %c0_i32_0 : i32, i32
  }
  func.func @transform_4(%arg0: i32) -> (i32, i32) {
    %c0_i32 = arith.constant 0 : i32
    %c0_i32_0 = arith.constant 0 : i32
    return %arg0, %c0_i32 : i32, i32
  }
  func.func @transform_5(%arg0: i32) -> (i32, i32) {
    %c0_i32 = arith.constant 0 : i32
    %c0_i32_0 = arith.constant 0 : i32
    %c0_i32_1 = arith.constant 0 : i32
    return %c0_i32, %c0_i32_0 : i32, i32
  }
}

</mosaic_0001>

<sc_bundles>
// kernel: kernel.5.cloned.1.call-start
scs
__scs_entry_jumppad:
0x0: {  	(pc) =	sbr.rel $0x88, $3  }
0x1: {  	(tag) =	ssettag $0x0;
	lr =	simm.s32 $0x1  }
0x2: {  	[smem:$0x3F9D] =	sst lr;
	_ =	strace $0xD0000000  }
0x3: {  	_ = 	snop  }
0x4: {  	_ = 	snop  }
0x5: {  	_ = 	snop  }
0x6: {  	_ = 	snop  }
0x7: {  	_ = 	snop  }
__scs_overlays_trampoline_lowered:
0x8: {  	[smem:$0x3FAC] =	sst s0  }
0x9: {  	[smem:$0x3FAD] =	sst s1  }
0xa: {  	[smem:$0x3FAE] =	sst s2  }
0xb: {  	[smem:$0x3FAF] =	sst s3  }
0xc: {  	[smem:$0x3FB0] =	sst s4  }
0xd: {  	[smem:$0x3FB1] =	sst s5  }
0xe: {  	[smem:$0x3FB2] =	sst s6  }
0xf: {  	[smem:$0x3FB3] =	sst s7  }
0x10: {  	[smem:$0x3FB4] =	sst s8  }
0x11: {  	[smem:$0x3FB5] =	sst s9;
	s0 =	simm.s32 @!p0 $0x0  }
0x12: {  	s1 =	sld [smem:$0x3F9B];
	s0 =	simm.s32 @p0 $0x1  }
0x13: {  	[smem:$0x3FB6] =	sst s0;
	s0 =	simm.s32 @!p1 $0x0  }
0x14: {  	s2 =	sld [smem:$0x3F9A];
	s0 =	simm.s32 @p1 $0x1  }
0x15: {  	[smem:$0x3FB7] =	sst s0;
	s0 =	simm.s32 @!p2 $0x0  }
0x16: {  	s3 =	sld [smem:$0x3FDB];
	s0 =	simm.s32 @p2 $0x1  }
0x17: {  	s4 =	simm.s32 $0x1BF5;
	[smem:$0x3FB9] =	sst s0  }
0x18: {  	s0 =	sld [smem:$0x3F9C];
	_ =	swait.ge [sflag:s4], $0x0  }
0x19: {  	s7 =	sld [smem:$0x3F9D]  }
0x1a: {  	s8 =	sadd.s32 $0xFFFFE003, lr  }
0x1b: {  	s9 =	sadd.s32 $0xFFFFFEF7, lr;
	s5 =	simm.s32 $0xFFFFFFFF;
	p2 =	slt.u32 s8, $0xFFFFF086  }
0x1c: {  	p1 =	slt.u32 s9, $0xF7A;
	s5 =	simm.s32 @!p2 $0x0  }
0x1d: {  	s5 =	simm.s32 @p1 $0x1;
	p0 =	seq.s32 s7, s2  }
0x1e: {  	s7 =	smul.u32 @!p0 $0xF7A, s2;
	p2 =	seq.s32 @!p0 s5, $0x0  }
0x1f: {  	s9 =	smul.u32 $0xF7A, s1;
	s8 =	simm.s32 @!p0 $0x1BF5;
	p2 =	por !p2, p0  }
0x20: {  	[sflag:s8] =	ssyncset.s32 @!p0 $0xFFFFF086;
	s6 =	sadd.s32 @!p0 s3, s7;
	s7 =	simm.s32 @!p0 $0x108  }
0x21: {  	s3 =	sadd.s32 s3, s9;
	s6 =	sadd.s32 @!p0 $0x88, s6;
	s7 =	simm.s32 @p2 $0x1082  }
0x22: {  	[simem:s7], [sflag:s8] =	dma.local @!p0 [hbm:s6], $0xF7A  }
0x23: {  	s9 =	sor.u32 $0xD0000000, s2;
	s6 =	simm.s32 $0x108;
	_ =	swait.ge @!p0 [sflag:s8], $0x0  }
0x24: {  	s3 =	sadd.s32 $0x88, s3;
	s6 =	simm.s32 @!p1 $0x1082;
	[sflag:s4] =	ssyncset.s32 $0xFFFFF086  }
0x25: {  	[simem:s6], [sflag:s4] =	dma.local [hbm:s3], $0xF7A  }
0x26: {  	[smem:$0x3F9D] =	sst s1;
	(tag) =	ssettag s2;
	_ =	strace s9  }
0x27: {  	s1 =	sld [smem:$0x3FAD]  }
0x28: {  	s2 =	sld [smem:$0x3FAE]  }
0x29: {  	s4 =	sld [smem:$0x3FB0]  }
0x2a: {  	p0 =	seq.s32 s5, $0x0;
	s5 =	sld [smem:$0x3FB1]  }
0x2b: {  	s6 =	sld [smem:$0x3FB2]  }
0x2c: {  	s7 =	sld [smem:$0x3FB3]  }
0x2d: {  	s3 =	simm.s32 $0x108;
	s8 =	sld [smem:$0x3FB4]  }
0x2e: {  	s3 =	simm.s32 @!p0 $0x1082;
	s9 =	sld [smem:$0x3FB5]  }
0x2f: {  	lr =	sadd.s32 s0, s3;
	s0 =	sld [smem:$0x3FAC]  }
0x30: {  	s3 =	sld [smem:$0x3FAF]  }
0x31: {  	[smem:$0x3FB8] =	sst s10  }
0x32: {  	s10 =	sld [smem:$0x3FB6];
	_ =	sdelay $0x3  }
0x33: {  	p0 =	seq.s32 s10, $0x1;
	s10 =	sld [smem:$0x3FB8];
	_ =	sdelay $0x3  }
0x34: {  	[smem:$0x3FB8] =	sst s10  }
0x35: {  	s10 =	sld [smem:$0x3FB7];
	_ =	sdelay $0x3  }
0x36: {  	p1 =	seq.s32 s10, $0x1;
	s10 =	sld [smem:$0x3FB8];
	_ =	sdelay $0x3  }
0x37: {  	[smem:$0x3FB8] =	sst s10  }
0x38: {  	s10 =	sld [smem:$0x3FB9]  }
0x39: {  	_ = 	snop;
	(pc) =	sbr.ind lr, $3  }
0x3a: {  	_ = 	snop  }
0x3b: {  	_ = 	snop  }
0x3c: {  	p2 =	seq.s32 s10, $0x1;
	s10 =	sld [smem:$0x3FB8]  }
0x3d: {  	_ =	shalt  }
0x3e: {  	_ =	shalt  }
0x3f: {  	_ =	shalt  }
0x40: {  	_ =	shalt  }
0x41: {  	_ =	shalt  }
0x42: {  	_ =	shalt  }
0x43: {  	_ =	shalt  }
0x44: {  	_ =	shalt  }
0x45: {  	_ =	shalt  }
0x46: {  	_ =	shalt  }
0x47: {  	_ =	shalt  }
0x48: {  	_ =	shalt  }
0x49: {  	_ =	shalt  }
0x4a: {  	_ =	shalt  }
0x4b: {  	_ =	shalt  }
0x4c: {  	_ =	shalt  }
0x4d: {  	_ =	shalt  }
0x4e: {  	_ =	shalt  }
0x4f: {  	_ =	shalt  }
0x50: {  	_ =	shalt  }
0x51: {  	_ =	shalt  }
0x52: {  	_ =	shalt  }
0x53: {  	_ =	shalt  }
0x54: {  	_ =	shalt  }
0x55: {  	_ =	shalt  }
0x56: {  	_ =	shalt  }
0x57: {  	_ =	shalt  }
0x58: {  	_ =	shalt  }
0x59: {  	_ =	shalt  }
0x5a: {  	_ =	shalt  }
0x5b: {  	_ =	shalt  }
0x5c: {  	_ =	shalt  }
0x5d: {  	_ =	shalt  }
0x5e: {  	_ =	shalt  }
0x5f: {  	_ =	shalt  }
0x60: {  	_ =	shalt  }
0x61: {  	_ =	shalt  }
0x62: {  	_ =	shalt  }
0x63: {  	_ =	shalt  }
0x64: {  	_ =	shalt  }
0x65: {  	_ =	shalt  }
0x66: {  	_ =	shalt  }
0x67: {  	_ =	shalt  }
0x68: {  	_ =	shalt  }
0x69: {  	_ =	shalt  }
0x6a: {  	_ =	shalt  }
0x6b: {  	_ =	shalt  }
0x6c: {  	_ =	shalt  }
0x6d: {  	_ =	shalt  }
0x6e: {  	_ =	shalt  }
0x6f: {  	_ =	shalt  }
0x70: {  	_ =	shalt  }
0x71: {  	_ =	shalt  }
0x72: {  	_ =	shalt  }
0x73: {  	_ =	shalt  }
0x74: {  	_ =	shalt  }
0x75: {  	_ =	shalt  }
0x76: {  	_ =	shalt  }
0x77: {  	_ =	shalt  }
0x78: {  	_ =	shalt  }
0x79: {  	_ =	shalt  }
0x7a: {  	_ =	shalt  }
0x7b: {  	_ =	shalt  }
0x7c: {  	_ =	shalt  }
0x7d: {  	_ =	shalt  }
0x7e: {  	_ =	shalt  }
0x7f: {  	_ =	shalt  }
0x80: {  	_ =	shalt  }
0x81: {  	_ =	shalt  }
0x82: {  	_ =	shalt  }
0x83: {  	_ =	shalt  }
0x84: {  	_ =	shalt  }
0x85: {  	_ =	shalt  }
0x86: {  	_ =	shalt  }
0x87: {  	_ =	shalt  }
.Lfunc_end0:
.L_simem_size_0:
called_computation_lowered:
.L_overlay_start_0:
0x88: {  	s2 =	sld [smem:$0x3FD9]  }
0x89: {  	s3 =	sld [smem:$0x3FFE];
	_ =	sdelay $0x1  }
0x8a: {  	s1 =	srdreg.scid  }
0x8b: {  	s0 =	sand.u32 $0x1, s1  }
0x8c: {  	s14 =	sshll.u32 s0, $0xA;
	s2 =	sadd.s32 s3, s2  }
0x8d: {  	s2 =	sadd.s32 s2, s14  }
0x8e: {  	[smem:$0x3FC4] =	sst s2  }
0x8f: {  	_ = 	snop  }
0x90: {  	s2 =	sld [smem:$0x3FD0];
	_ =	sdelay $0x2  }
0x91: {  	s15 =	simm.s32 $0xA;
	s4 =	simm.s32 $0x10  }
0x92: {  	[smem:s4], [sflag:s15] =	dma.local [hbm:s2], $0x1  }
0x93: {  	_ =	swait.eq [sflag:s15], $0x1  }
0x94: {  	[sflag:s15] =	ssyncset.done $0x0  }
0x95: {  	s16 =	sld [smem:$0x11];
	[sflag:s15] =	ssyncadd.s32 $0xFFFFFFFF  }
0x96: {  	s17 =	sld [smem:$0x12];
	(tm) =	ssettm $0x1  }
0x97: {  	s18 =	sld [smem:$0x3FFB];
	_ =	sdelay $0x3  }
0x98: {  	_ =	strace s18  }
0x99: {  	s4 =	sld [smem:$0x3FFC];
	_ =	sdelay $0x3  }
0x9a: {  	_ =	strace s4  }
0x9b: {  	s4 =	sld [smem:$0x3FFD];
	_ =	sdelay $0x3  }
0x9c: {  	_ =	strace s4  }
0x9d: {  	_ =	strace $0x8FFFFFFF  }
0x9e: {  	s19 =	sld [smem:$0x3FDB];
	_ =	sdelay $0x1  }
0x9f: {  	s5 =	simm.s32 $_scs_section_size  }
0xa0: {  	s6 =	simm.s32 $_size__tile_overlayer_lowered;
	s7 =	simm.s32 $_tile_overlayer_lowered  }
0xa1: {  	s22 =	simm.s32 $0x1BFF;
	s21 =	sshll.u32 s7, $0x1;
	s4 =	sadd.s32 s5, s19  }
0xa2: {  	s8 =	simm.s32 $0x0;
	s20 =	sshll.u32 s6, $0x1;
	s6 =	sadd.s32 s21, s4  }
0xa3: {  	[timem:s8], [sflag:s22] =	dma.local [hbm:s6], s20  }
0xa4: {  	_ =	swait.ge [sflag:s22], s20  }
0xa5: {  	s5 =	ssub.s32 $0x0, s20;
	[sflag:s22] =	ssyncset.done $0x0  }
0xa6: {  	[sflag:s22] =	ssyncadd.s32 s5;
	_ =	sdelay $0x1  }
0xa7: {  	s23 =	simm.s32 $0x1B8B  }
0xa8: {  	_ =	swait.ge [sflag:s23], $0x1  }
0xa9: {  	[sflag:s23] =	ssyncset.done $0x0  }
0xaa: {  	s25 =	simm.s32 $0x1B8E;
	s24 =	sld [smem:$0x3FFE];
	[sflag:s23] =	ssyncadd.s32 $0xFFFFFFFF  }
0xab: {  	s26 =	simm.s32 $execute0_lowered;
	[smem:$0x3FD2] =	sst s25  }
0xac: {  	s6 =	sshll.u32 s26, $0x1;
	_ =	strace $0x80000046;
	[dreg:$0x1] =	wrdreg $0xFFFFFFFF  }
0xad: {  	s28 =	simm.s32 $_size_execute0_lowered;
	s4 =	sadd.s32 s4, s6;
	[dreg:$0x0] =	wrdreg $0x0  }
0xae: {  	s6 =	sshll.u32 s28, $0x1;
	[dreg:$0x2] =	wrdreg s4  }
0xaf: {  	[dreg:$0x3] =	wrdreg s6  }
0xb0: {  	[dreg:$0x4] =	wrdreg $0xC0  }
0xb1: {  	_ =	task [dreg:s8], $0x5FFFF  }
0xb2: {  	[dreg:$0x1] =	wrdreg $0xFFFFFFFF  }
0xb3: {  	[dreg:$0x0] =	wrdreg $0x60  }
0xb4: {  	[dreg:$0x2] =	wrdreg s17  }
0xb5: {  	[dreg:$0x3] =	wrdreg s24  }
0xb6: {  	[dreg:$0x4] =	wrdreg s16  }
0xb7: {  	[dreg:$0x5] =	wrdreg $0x9  }
0xb8: {  	_ =	task.clear_ibuf [dreg:s8], $0x6FFFF;
	_ =	strace $0x90000046  }
0xb9: {  	s29 =	simm.s32 $0x9;
	_ =	strace $0x80000048  }
0xba: {  	_ =	swait.ge [sflag:s29], $0x1  }
0xbb: {  	[sflag:s29] =	ssyncadd.s32 $0xFFFFFFFF  }
0xbc: {  	_ =	strace $0x90000048  }
0xbd: {  	_ =	sfence  }
0xbe: {  	s30 =	sld [smem:$0x0];
	_ =	sdelay $0x2  }
0xbf: {  	s31 =	sshll.u32 s1, $0xD;
	s1 =	sshrl.u32 s1, $0x2  }
0xc0: {  	s3 =	sand.u32 $0x4000, s31;
	s1 =	sadd.s32 s1, s30  }
0xc1: {  	s0 =	sor.u32 s3, s0;
	s1 =	sshll.u32 s1, $0x11  }
0xc2: {  	s0 =	sor.u32 s1, s0  }
0xc3: {  	s0 =	sadd.s32 $0x8F2B, s0  }
0xc4: {  	[sflag:s0] =	ssyncadd.remote.s32 $0x1  }
0xc5: {  	_ =	sfence.sel $0xFFFF  }
0xc6: {  	[dreg:$0x0] =	wrdreg $0xFFFFFFFF;
	(pc) =	sbr.abs _section_cstart, $3  }
0xc7: {  	[dreg:$0x1] =	wrdreg $0xFFFFFFFF  }
0xc8: {  	_ =	task.clear_ibuf [dreg:s8], $0x2FFFF;
	_ =	strace $0x9FFFFFFF  }
0xc9: {  	(tm) =	ssettm $0x7FFFFFFF  }
tec
execute0_lowered:
.L_overlay_start_1:
0x0: {  	(tag) =	ssettag $0x1  }
0x1: {  	s2 =	srdreg.scid  }
0x2: {  	s1 =	rddreg [dreg:$0x0];
	s0 =	stileid.u32;
	s10 =	sand.u32 $0x1, s2  }
0x3: {  	s4 =	rddreg [dreg:$0x1];
	s29 =	sshll.u32 s0, $0x9;
	s3 =	sshll.u32 s10, $0x8  }
0x4: {  	s11 =	rddreg [dreg:$0x2];
	s12 =	sor.u32 s3, s29  }
0x5: {  	s2 =	rddreg [dreg:$0x3];
	s3 =	simm.s32 $0x0;
	s5 =	sshrl.u32 s12, $0x3  }
0x6: {  	[smem:$0x7FF] =	sst s3;
	s4 =	sadd.s32 s5, s4  }
0x7: {  	_ =	strace $0x80000047;
	s5 =	sadd.s32 $0xE00, s4;
	s4 =	simm.s32 $0x2  }
0x8: {  	[tilespmem:s3], [sflag:$0x2] =	stream.linear.gather [hbm4b:s5+s3], $0x100, $0x38;
	[tilespmem:$0x2100] =	vst v63  }
0x9: {  	_ =	swait.ge [sflag:s4], $0x100  }
0xa: {  	[sflag:s4] =	ssyncset.done $0x0  }
0xb: {  	s6 =	simm.s32 $0x80;
	s7 =	simm.s32 $0x100;
	[sflag:s4] =	ssyncadd.s32 $0xFFFFFF00  }
0xc: {  	[tilespmem:s7], [sflag:$0x1] =	stream.indirect.gather [hbm4b:s1+s6], $0x20, s3, s6, $0xb8;
	[tilespmem:$0x2100] =	vst v63  }
0xd: {  	s8 =	simm.s32 $0x1100;
	s9 =	simm.s32 $0x1;
	s10 =	ssub.s32 $0x2, s10  }
0xe: {  	[tilespmem:s8], [sflag:$0x1] =	stream.indirect.gather [hbm4b:s1+s6], $0x20, s6, s6, $0xb8;
	[tilespmem:$0x2100] =	vst v63  }
0xf: {  	s13 =	sshrl.u32 s10, $0x1;
	_ =	swait.ge [sflag:s9], $0x1000  }
0x10: {  	s13 =	ssub.s32 s10, s13;
	[sflag:s9] =	ssyncset.done $0x0  }
0x11: {  	s31 =	smax.u32 s13, $0x1;
	[sflag:s9] =	ssyncadd.s32 $0xFFFFF000  }
0x12: {  	p0 =	sne.s32 s31, $0x1;
	_ =	swait.ge [sflag:s9], $0x1000  }
.Ltmp0:
0x13: {  	s30 =	sshll.u32 s12, $0x2;
	[sflag:s9] =	ssyncset.done $0x0;
	(pc) =	sbr.rel @!p0 .LBB2_2-.Ltmp0, $4  }
0x14: {  	s10 =	sadd.s32 s11, s30;
	[sflag:s9] =	ssyncadd.s32 $0xFFFFF000  }
0x15: {  	[hbm4b:s10+s3] =	stream.linear.scatter [tilespmem:s7], [sflag:$0x2], $0x2000, $0x38;
	[tilespmem:$0x2100] =	vst v63  }
0x16: {  	_ =	swait.ge [sflag:s4], $0x2000  }
0x17: {  	s11 =	sadd.s32 $0xFFFFFFFF, s31;
	[sflag:s4] =	ssyncset.done $0x0  }
.LBB2_1:
0x18: {  	p0 =	sne.s32 s11, $0x1;
	s11 =	sadd.s32 $0xFFFFFFFF, s11;
	[sflag:s4] =	ssyncadd.s32 $0xFFFFE000  }
0x19: {  	[tilespmem:s3], [sflag:$0x2] =	stream.linear.gather [hbm4b:s5+s3], $0x100, $0x38;
	[tilespmem:$0x2100] =	vst v63  }
0x1a: {  	_ =	swait.ge [sflag:s4], $0x100  }
0x1b: {  	[sflag:s4] =	ssyncset.done $0x0  }
0x1c: {  	[sflag:s4] =	ssyncadd.s32 $0xFFFFFF00  }
0x1d: {  	[tilespmem:s7], [sflag:$0x1] =	stream.indirect.gather [hbm4b:s1+s6], $0x20, s3, s6, $0xb8;
	[tilespmem:$0x2100] =	vst v63  }
0x1e: {  	_ = 	snop  }
0x1f: {  	[tilespmem:s8], [sflag:$0x1] =	stream.indirect.gather [hbm4b:s1+s6], $0x20, s6, s6, $0xb8;
	[tilespmem:$0x2100] =	vst v63  }
0x20: {  	_ =	swait.ge [sflag:s9], $0x1000  }
0x21: {  	[sflag:s9] =	ssyncset.done $0x0  }
0x22: {  	[sflag:s9] =	ssyncadd.s32 $0xFFFFF000  }
0x23: {  	_ =	swait.ge [sflag:s9], $0x1000  }
.Ltmp1:
0x24: {  	[sflag:s9] =	ssyncset.done $0x0;
	(pc) =	sbr.rel @p0 .LBB2_1-.Ltmp1, $4  }
0x25: {  	[sflag:s9] =	ssyncadd.s32 $0xFFFFF000  }
0x26: {  	[hbm4b:s10+s3] =	stream.linear.scatter [tilespmem:s7], [sflag:$0x2], $0x2000, $0x38;
	[tilespmem:$0x2100] =	vst v63  }
0x27: {  	_ =	swait.ge [sflag:s4], $0x2000  }
0x28: {  	[sflag:s4] =	ssyncset.done $0x0  }
.LBB2_2:
0x29: {  	[sflag:s4] =	ssyncadd.s32 $0xFFFFE000  }
0x2a: {  	_ =	sfence.sel $0x180000  }
0x2b: {  	[bflag:$0x0] =	sbarrier.arrive $0xFFFF  }
0x2c: {  	p0 =	sne.s32 s0, $0x0;
	_ =	strace $0x90000047  }
0x2d: {  	s0 =	sadd.s32 @!p0 $0x100000, s2;
	[bflag:$0x2] =	sbarrier.arrive $0xFFFF  }
0x2e: {  	[sflag:s0] =	ssyncadd.tile.s32 @!p0 $0x1;
	_ =	shalt  }
.Lfunc_end2:
_tile_overlayer_lowered:
.L_overlay_start_2:
0x2f: {  	(tag) =	ssettag $0x2  }
0x30: {  	s0 =	rddreg [dreg:$0x0];
	s2 =	stileid.u32  }
0x31: {  	s1 =	rddreg [dreg:$0x1];
	p0 =	sne.s32 s2, $0x0  }
0x32: {  	s3 =	rddreg [dreg:$0x2];
	[bflag:$0x3] =	sbarrier.arrive $0xFFFF;
	s2 =	simm.s32 @!p0 $0x1C02  }
0x33: {  	[timem:s3], [sflag:s2] =	dma.local @!p0 [hbm:s0], s1  }
0x34: {  	s0 =	simm.s32 @!p0 $0x2  }
0x35: {  	_ =	swait.ge @!p0 [sflag:s0], s1  }
0x36: {  	s1 =	ssub.s32 @!p0 $0x0, s1;
	[sflag:s0] =	ssyncset.done @!p0 $0x0  }
0x37: {  	[sflag:s0] =	ssyncadd.s32 @!p0 s1  }
0x38: {  	[bflag:$0x3] =	sbarrier.arrive $0xFFFF  }
0x39: {  	_ =	shalt  }

</sc_bundles>
